<compile_context>
chip_gen: v7x
topology: tpu7x:2x2x1
jax: 0.10.2.dev20260603
libtpu: 0.0.44.dev20260713+nightly
codegen_flags: <defaults>
</compile_context>

<pallas_src>
import functools
import jax
import jax.numpy as jnp
from jax import lax
from jax.experimental import pallas as pl
from jax.experimental.pallas import tpu as pltpu
from jax.experimental.pallas import tpu_sc as plsc

B, S, D = 4, 8192, 1024
NW = 32
ROWS_W = S // NW
TR = 16
T = TR * D
NT = ROWS_W // TR
PB = S * D
NIT = NT * B


def _sc_body(x_hbm, pos_hbm, out_hbm,
             xv0, xv1, ov0, ov1, pv0, pv1,
             sin0, sin1, sout0, sout1, spos0, spos1):
    xv = (xv0, xv1)
    ov = (ov0, ov1)
    pv = (pv0, pv1)
    sin = (sin0, sin1)
    sout = (sout0, sout1)
    spos = (spos0, spos1)

    w = lax.axis_index("s") * 2 + lax.axis_index("c")
    prow = w * (ROWS_W * D)

    def x_off(g, b):
        return b * PB + prow + g * T

    def p_off(g):
        return prow + g * T

    pltpu.make_async_copy(pos_hbm.at[pl.ds(p_off(0), T)], pv0, spos0).start()
    pltpu.make_async_copy(pos_hbm.at[pl.ds(p_off(1), T)], pv1, spos1).start()
    pltpu.make_async_copy(x_hbm.at[pl.ds(x_off(0, 0), T)], xv0, sin0).start()
    pltpu.make_async_copy(x_hbm.at[pl.ds(x_off(0, 1), T)], xv1, sin1).start()

    def group2(g2, carry):
        for gg in range(2):
            g = g2 * 2 + gg
            q = gg
            for b in range(4):
                s = b % 2
                it = g * 4 + b
                pltpu.make_async_copy(
                    x_hbm.at[pl.ds(x_off(g, b), T)], xv[s], sin[s]).wait()
                if b == 0:
                    pltpu.make_async_copy(
                        pos_hbm.at[pl.ds(p_off(g), T)], pv[q], spos[q]).wait()

                if gg * 4 + b >= 2:
                    pltpu.make_async_copy(
                        ov[s], out_hbm.at[pl.ds(x_off(g, b), T)],
                        sout[s]).wait()
                else:
                    @pl.when(g2 >= 1)
                    def _drain():
                        pltpu.make_async_copy(
                            ov[s], out_hbm.at[pl.ds(x_off(g, b), T)],
                            sout[s]).wait()

                def inner(j, c):
                    for k in range(4):
                        sl = pl.ds(j * 64 + k * 16, 16)
                        ov[s][sl] = xv[s][sl] + pv[q][sl]
                    return c

                lax.fori_loop(0, T // 64, inner, 0)

                pltpu.make_async_copy(
                    ov[s], out_hbm.at[pl.ds(x_off(g, b), T)], sout[s]).start()

                nb = (b + 2) % 4
                ng = g + (b + 2) // 4

                @pl.when(ng < NT)
                def _pf():
                    pltpu.make_async_copy(
                        x_hbm.at[pl.ds(x_off(ng, nb), T)],
                        xv[s], sin[s]).start()
                if b == 3:
                    npos = g + 2
                    @pl.when(npos < NT)
                    def _pp():
                        pltpu.make_async_copy(
                            pos_hbm.at[pl.ds(p_off(npos), T)],
                            pv[q], spos[q]).start()
        return carry

    lax.fori_loop(0, NT // 2, group2, 0)

    pltpu.make_async_copy(
        ov0, out_hbm.at[pl.ds(x_off(NT - 1, 2), T)], sout0).wait()
    pltpu.make_async_copy(
        ov1, out_hbm.at[pl.ds(x_off(NT - 1, 3), T)], sout1).wait()


def kernel(x, pos_table):
    xf = x.reshape(-1)
    pf = pos_table.reshape(-1)
    mesh = plsc.VectorSubcoreMesh(core_axis_name="c", subcore_axis_name="s")
    run = functools.partial(
        pl.kernel,
        mesh=mesh,
        out_type=jax.ShapeDtypeStruct((B * S * D,), jnp.float32),
        scratch_types=[
            pltpu.VMEM((T,), jnp.float32),
            pltpu.VMEM((T,), jnp.float32),
            pltpu.VMEM((T,), jnp.float32),
            pltpu.VMEM((T,), jnp.float32),
            pltpu.VMEM((T,), jnp.float32),
            pltpu.VMEM((T,), jnp.float32),
            pltpu.SemaphoreType.DMA,
            pltpu.SemaphoreType.DMA,
            pltpu.SemaphoreType.DMA,
            pltpu.SemaphoreType.DMA,
            pltpu.SemaphoreType.DMA,
            pltpu.SemaphoreType.DMA,
        ],
    )(_sc_body)
    return run(xf, pf).reshape(B, S, D)

# --- scband reference (transcript-rebuilt; emitter-appended) ---
"""Pipeline reference for scband-learned-positional-embedding-79276506349633 (READ-ONLY COPY).

The authoritative reference and input builder live on the scoring server;
editing this copy changes nothing except your own understanding.
"""

import jax, jax.numpy as jnp
import numpy as np

MAX_LEN = 8192
D_MODEL = 1024
BATCH = 4
SEQ_LEN = 8192

def setup_inputs(seed: int = 0) -> dict:
    key = jax.random.key(seed)
    k1, k2 = jax.random.split(key)
    x = jax.random.normal(k1, (BATCH, SEQ_LEN, D_MODEL), dtype=jnp.float32)
    # learned positional embedding table, init std=0.02 like the torch module
    pos_table = jax.random.normal(k2, (MAX_LEN, D_MODEL), dtype=jnp.float32) * 0.02
    return {"x": x, "pos_table": pos_table}

def reference(x, pos_table):
    batch_size, seq_len, d_model = x.shape
    positions = jnp.arange(seq_len)  # [seq_len]
    # gather rows of the learned table (embedding lookup)
    position_embeds = jnp.take(pos_table, positions, axis=0)  # [seq_len, d_model]
    position_embeds = jnp.broadcast_to(position_embeds[None, :, :], (batch_size, seq_len, d_model))
    out = x + position_embeds
    # dropout prob = 0.0 -> identity
    return out

if __name__ == "__main__":
    import jax
    _d = setup_inputs()
    print(jax.jit(kernel)(*tuple(_d.values())))

</pallas_src>

<mosaic_0001>
#map = affine_map<(d0, d1) -> (0)>
module attributes {stable_mosaic.version = 14 : i64} {
  func.func @_sc_body(%arg0: i32, %arg1: i32, %arg2: memref<33554432xf32, #tpu.memory_space<hbm>>, %arg3: memref<8388608xf32, #tpu.memory_space<hbm>>, %arg4: memref<33554432xf32, #tpu.memory_space<hbm>>, %arg5: memref<16384xf32, #tpu.memory_space<vmem>>, %arg6: memref<16384xf32, #tpu.memory_space<vmem>>, %arg7: memref<16384xf32, #tpu.memory_space<vmem>>, %arg8: memref<16384xf32, #tpu.memory_space<vmem>>, %arg9: memref<16384xf32, #tpu.memory_space<vmem>>, %arg10: memref<16384xf32, #tpu.memory_space<vmem>>, %arg11: memref<!tpu.dma_semaphore, #tpu.memory_space<semaphore_mem>>, %arg12: memref<!tpu.dma_semaphore, #tpu.memory_space<semaphore_mem>>, %arg13: memref<!tpu.dma_semaphore, #tpu.memory_space<semaphore_mem>>, %arg14: memref<!tpu.dma_semaphore, #tpu.memory_space<semaphore_mem>>, %arg15: memref<!tpu.dma_semaphore, #tpu.memory_space<semaphore_mem>>, %arg16: memref<!tpu.dma_semaphore, #tpu.memory_space<semaphore_mem>>) attributes {dimension_semantics = [#tpu.dimension_semantics<core_parallel>, #tpu.dimension_semantics<subcore_parallel>], iteration_bounds = array<i64: 2, 16>, scalar_prefetch = 0 : i64, scratch_operands = 12 : i64, tpu.core_type = #tpu.core_type<sc_vector_subcore>, window_params = [{transform_indices = #map}, {transform_indices = #map}, {transform_indices = #map}]} {
    %mul3A = arith.constant 2 : i32
    %mul3A_0 = arith.muli %arg1, %mul3A : i32
    %add3A = arith.addi %mul3A_0, %arg0 : i32
    %mul3A_1 = arith.constant 262144 : i32
    %mul3A_2 = arith.muli %add3A, %mul3A_1 : i32
    %add3A_3 = arith.constant 0 : i32
    %add3A_4 = arith.addi %mul3A_2, %add3A_3 : i32
    %dma_start3A = tpu.memref_slice %arg3[%add3A_4] : memref<8388608xf32, #tpu.memory_space<hbm>> -> memref<16384xf32, #tpu.memory_space<hbm>>
    %dma_start3A_5 = tpu.memref_slice %arg3[%add3A_4] : memref<8388608xf32, #tpu.memory_space<hbm>> -> memref<16384xf32, #tpu.memory_space<hbm>>
    tpu.enqueue_dma source(%dma_start3A_5 : memref<16384xf32, #tpu.memory_space<hbm>>) target(%arg9 : memref<16384xf32, #tpu.memory_space<vmem>>) target_semaphore(%arg15 : memref<!tpu.dma_semaphore, #tpu.memory_space<semaphore_mem>>)
    %add3A_6 = arith.constant 16384 : i32
    %add3A_7 = arith.addi %mul3A_2, %add3A_6 : i32
    %dma_start3A_8 = tpu.memref_slice %arg3[%add3A_7] : memref<8388608xf32, #tpu.memory_space<hbm>> -> memref<16384xf32, #tpu.memory_space<hbm>>
    %dma_start3A_9 = tpu.memref_slice %arg3[%add3A_7] : memref<8388608xf32, #tpu.memory_space<hbm>> -> memref<16384xf32, #tpu.memory_space<hbm>>
    tpu.enqueue_dma source(%dma_start3A_9 : memref<16384xf32, #tpu.memory_space<hbm>>) target(%arg10 : memref<16384xf32, #tpu.memory_space<vmem>>) target_semaphore(%arg16 : memref<!tpu.dma_semaphore, #tpu.memory_space<semaphore_mem>>)
    %add3A_10 = arith.constant 0 : i32
    %add3A_11 = arith.addi %add3A_10, %mul3A_2 : i32
    %add3A_12 = arith.constant 0 : i32
    %add3A_13 = arith.addi %add3A_11, %add3A_12 : i32
    %dma_start3A_14 = tpu.memref_slice %arg2[%add3A_13] : memref<33554432xf32, #tpu.memory_space<hbm>> -> memref<16384xf32, #tpu.memory_space<hbm>>
    %dma_start3A_15 = tpu.memref_slice %arg2[%add3A_13] : memref<33554432xf32, #tpu.memory_space<hbm>> -> memref<16384xf32, #tpu.memory_space<hbm>>
    tpu.enqueue_dma source(%dma_start3A_15 : memref<16384xf32, #tpu.memory_space<hbm>>) target(%arg5 : memref<16384xf32, #tpu.memory_space<vmem>>) target_semaphore(%arg11 : memref<!tpu.dma_semaphore, #tpu.memory_space<semaphore_mem>>)
    %add3A_16 = arith.constant 8388608 : i32
    %add3A_17 = arith.addi %add3A_16, %mul3A_2 : i32
    %add3A_18 = arith.constant 0 : i32
    %add3A_19 = arith.addi %add3A_17, %add3A_18 : i32
    %dma_start3A_20 = tpu.memref_slice %arg2[%add3A_19] : memref<33554432xf32, #tpu.memory_space<hbm>> -> memref<16384xf32, #tpu.memory_space<hbm>>
    %dma_start3A_21 = tpu.memref_slice %arg2[%add3A_19] : memref<33554432xf32, #tpu.memory_space<hbm>> -> memref<16384xf32, #tpu.memory_space<hbm>>
    tpu.enqueue_dma source(%dma_start3A_21 : memref<16384xf32, #tpu.memory_space<hbm>>) target(%arg6 : memref<16384xf32, #tpu.memory_space<vmem>>) target_semaphore(%arg12 : memref<!tpu.dma_semaphore, #tpu.memory_space<semaphore_mem>>)
    %scan3A = arith.constant 0 : i32
    %scan3A_22 = arith.constant 0 : i32
    %scan3A_23 = arith.constant 8 : i32
    %scan3A_24 = arith.addi %scan3A_22, %scan3A_23 : i32
    %scan3A_25 = arith.constant 1 : i32
    scf.for %scan3A_38 = %scan3A_22 to %scan3A_24 step %scan3A_25  : i32 {
      %mul3A_39 = arith.constant 2 : i32
      %mul3A_40 = arith.muli %scan3A_38, %mul3A_39 : i32
      %add3A_41 = arith.constant 0 : i32
      %add3A_42 = arith.addi %mul3A_40, %add3A_41 : i32
      %mul3A_43 = arith.constant 4 : i32
      %mul3A_44 = arith.muli %add3A_42, %mul3A_43 : i32
      %add3A_45 = arith.constant 0 : i32
      %add3A_46 = arith.addi %mul3A_44, %add3A_45 : i32
      %add3A_47 = arith.constant 0 : i32
      %add3A_48 = arith.addi %add3A_47, %mul3A_2 : i32
      %mul3A_49 = arith.constant 16384 : i32
      %mul3A_50 = arith.muli %add3A_42, %mul3A_49 : i32
      %add3A_51 = arith.addi %add3A_48, %mul3A_50 : i32
      %dma_wait3A_52 = tpu.memref_slice %arg2[%add3A_51] : memref<33554432xf32, #tpu.memory_space<hbm>> -> memref<16384xf32, #tpu.memory_space<hbm>>
      %dma_wait3A_53 = tpu.memref_slice %arg2[%add3A_51] : memref<33554432xf32, #tpu.memory_space<hbm>> -> memref<16384xf32, #tpu.memory_space<hbm>>
      tpu.wait_dma2 semaphore(%arg11 : memref<!tpu.dma_semaphore, #tpu.memory_space<semaphore_mem>>) src(%dma_wait3A_53 : memref<16384xf32, #tpu.memory_space<hbm>>) dst(%arg5 : memref<16384xf32, #tpu.memory_space<vmem>>)
      %mul3A_54 = arith.constant 16384 : i32
      %mul3A_55 = arith.muli %add3A_42, %mul3A_54 : i32
      %add3A_56 = arith.addi %mul3A_2, %mul3A_55 : i32
      %dma_wait3A_57 = tpu.memref_slice %arg3[%add3A_56] : memref<8388608xf32, #tpu.memory_space<hbm>> -> memref<16384xf32, #tpu.memory_space<hbm>>
      %dma_wait3A_58 = tpu.memref_slice %arg3[%add3A_56] : memref<8388608xf32, #tpu.memory_space<hbm>> -> memref<16384xf32, #tpu.memory_space<hbm>>
      tpu.wait_dma2 semaphore(%arg15 : memref<!tpu.dma_semaphore, #tpu.memory_space<semaphore_mem>>) src(%dma_wait3A_58 : memref<16384xf32, #tpu.memory_space<hbm>>) dst(%arg9 : memref<16384xf32, #tpu.memory_space<vmem>>)
      %ge3A = arith.constant 1 : i32
      %ge3A_59 = arith.cmpi sge, %scan3A_38, %ge3A : i32
      %convert_element_type3A = arith.extui %ge3A_59 : i1 to i32
      %cond3A = arith.constant 0 : i32
      %cond3A_60 = arith.cmpi ne, %convert_element_type3A, %cond3A : i32
      scf.if %cond3A_60 {
        %add3A_367 = arith.constant 0 : i32
        %add3A_368 = arith.addi %add3A_367, %mul3A_2 : i32
        %mul3A_369 = arith.constant 16384 : i32
        %mul3A_370 = arith.muli %add3A_42, %mul3A_369 : i32
        %add3A_371 = arith.addi %add3A_368, %mul3A_370 : i32
        %dma_wait3A_372 = tpu.memref_slice %arg4[%add3A_371] : memref<33554432xf32, #tpu.memory_space<hbm>> -> memref<16384xf32, #tpu.memory_space<hbm>>
        %dma_wait3A_373 = tpu.memref_slice %arg4[%add3A_371] : memref<33554432xf32, #tpu.memory_space<hbm>> -> memref<16384xf32, #tpu.memory_space<hbm>>
        tpu.wait_dma2 semaphore(%arg13 : memref<!tpu.dma_semaphore, #tpu.memory_space<semaphore_mem>>) src(%arg7 : memref<16384xf32, #tpu.memory_space<vmem>>) dst(%dma_wait3A_373 : memref<16384xf32, #tpu.memory_space<hbm>>)
      } else {
      }
      %scan3A_61 = arith.constant 0 : i32
      %scan3A_62 = arith.constant 0 : i32
      %scan3A_63 = arith.constant 256 : i32
      %scan3A_64 = arith.addi %scan3A_62, %scan3A_63 : i32
      %scan3A_65 = arith.constant 1 : i32
      scf.for %scan3A_367 = %scan3A_62 to %scan3A_64 step %scan3A_65  : i32 {
        %mul3A_368 = arith.constant 64 : i32
        %mul3A_369 = arith.muli %scan3A_367, %mul3A_368 : i32
        %add3A_370 = arith.constant 0 : i32
        %add3A_371 = arith.addi %mul3A_369, %add3A_370 : i32
        %get3A = arith.index_cast %add3A_371 : i32 to index
        %get3A_372 = tpu.vector_load %arg5[%get3A] {strides = array<i32>} : memref<16384xf32, #tpu.memory_space<vmem>>, vector<16xf32>,
        %get3A_373 = vector.shape_cast %get3A_372 : vector<16xf32> to vector<16xf32>
        %get3A_374 = arith.index_cast %add3A_371 : i32 to index
        %get3A_375 = tpu.vector_load %arg9[%get3A_374] {strides = array<i32>} : memref<16384xf32, #tpu.memory_space<vmem>>, vector<16xf32>,
        %get3A_376 = vector.shape_cast %get3A_375 : vector<16xf32> to vector<16xf32>
        %add3A_377 = arith.addf %get3A_373, %get3A_376 : vector<16xf32>
        %swap3A = arith.index_cast %add3A_371 : i32 to index
        %swap3A_378 = tpu.vector_load %arg7[%swap3A] {strides = array<i32>} : memref<16384xf32, #tpu.memory_space<vmem>>, vector<16xf32>,
        %swap3A_379 = vector.shape_cast %swap3A_378 : vector<16xf32> to vector<16xf32>
        %swap3A_380 = vector.shape_cast %add3A_377 : vector<16xf32> to vector<16xf32>
        tpu.vector_store %arg7[%swap3A], %swap3A_380 {strides = array<i32>} : memref<16384xf32, #tpu.memory_space<vmem>>, vector<16xf32>,
        %mul3A_381 = arith.constant 64 : i32
        %mul3A_382 = arith.muli %scan3A_367, %mul3A_381 : i32
        %add3A_383 = arith.constant 16 : i32
        %add3A_384 = arith.addi %mul3A_382, %add3A_383 : i32
        %get3A_385 = arith.index_cast %add3A_384 : i32 to index
        %get3A_386 = tpu.vector_load %arg5[%get3A_385] {strides = array<i32>} : memref<16384xf32, #tpu.memory_space<vmem>>, vector<16xf32>,
        %get3A_387 = vector.shape_cast %get3A_386 : vector<16xf32> to vector<16xf32>
        %get3A_388 = arith.index_cast %add3A_384 : i32 to index
        %get3A_389 = tpu.vector_load %arg9[%get3A_388] {strides = array<i32>} : memref<16384xf32, #tpu.memory_space<vmem>>, vector<16xf32>,
        %get3A_390 = vector.shape_cast %get3A_389 : vector<16xf32> to vector<16xf32>
        %add3A_391 = arith.addf %get3A_387, %get3A_390 : vector<16xf32>
        %swap3A_392 = arith.index_cast %add3A_384 : i32 to index
        %swap3A_393 = tpu.vector_load %arg7[%swap3A_392] {strides = array<i32>} : memref<16384xf32, #tpu.memory_space<vmem>>, vector<16xf32>,
        %swap3A_394 = vector.shape_cast %swap3A_393 : vector<16xf32> to vector<16xf32>
        %swap3A_395 = vector.shape_cast %add3A_391 : vector<16xf32> to vector<16xf32>
        tpu.vector_store %arg7[%swap3A_392], %swap3A_395 {strides = array<i32>} : memref<16384xf32, #tpu.memory_space<vmem>>, vector<16xf32>,
        %mul3A_396 = arith.constant 64 : i32
        %mul3A_397 = arith.muli %scan3A_367, %mul3A_396 : i32
        %add3A_398 = arith.constant 32 : i32
        %add3A_399 = arith.addi %mul3A_397, %add3A_398 : i32
        %get3A_400 = arith.index_cast %add3A_399 : i32 to index
        %get3A_401 = tpu.vector_load %arg5[%get3A_400] {strides = array<i32>} : memref<16384xf32, #tpu.memory_space<vmem>>, vector<16xf32>,
        %get3A_402 = vector.shape_cast %get3A_401 : vector<16xf32> to vector<16xf32>
        %get3A_403 = arith.index_cast %add3A_399 : i32 to index
        %get3A_404 = tpu.vector_load %arg9[%get3A_403] {strides = array<i32>} : memref<16384xf32, #tpu.memory_space<vmem>>, vector<16xf32>,
        %get3A_405 = vector.shape_cast %get3A_404 : vector<16xf32> to vector<16xf32>
        %add3A_406 = arith.addf %get3A_402, %get3A_405 : vector<16xf32>
        %swap3A_407 = arith.index_cast %add3A_399 : i32 to index
        %swap3A_408 = tpu.vector_load %arg7[%swap3A_407] {strides = array<i32>} : memref<16384xf32, #tpu.memory_space<vmem>>, vector<16xf32>,
        %swap3A_409 = vector.shape_cast %swap3A_408 : vector<16xf32> to vector<16xf32>
        %swap3A_410 = vector.shape_cast %add3A_406 : vector<16xf32> to vector<16xf32>
        tpu.vector_store %arg7[%swap3A_407], %swap3A_410 {strides = array<i32>} : memref<16384xf32, #tpu.memory_space<vmem>>, vector<16xf32>,
        %mul3A_411 = arith.constant 64 : i32
        %mul3A_412 = arith.muli %scan3A_367, %mul3A_411 : i32
        %add3A_413 = arith.constant 48 : i32
        %add3A_414 = arith.addi %mul3A_412, %add3A_413 : i32
        %get3A_415 = arith.index_cast %add3A_414 : i32 to index
        %get3A_416 = tpu.vector_load %arg5[%get3A_415] {strides = array<i32>} : memref<16384xf32, #tpu.memory_space<vmem>>, vector<16xf32>,
        %get3A_417 = vector.shape_cast %get3A_416 : vector<16xf32> to vector<16xf32>
        %get3A_418 = arith.index_cast %add3A_414 : i32 to index
        %get3A_419 = tpu.vector_load %arg9[%get3A_418] {strides = array<i32>} : memref<16384xf32, #tpu.memory_space<vmem>>, vector<16xf32>,
        %get3A_420 = vector.shape_cast %get3A_419 : vector<16xf32> to vector<16xf32>
        %add3A_421 = arith.addf %get3A_417, %get3A_420 : vector<16xf32>
        %swap3A_422 = arith.index_cast %add3A_414 : i32 to index
        %swap3A_423 = tpu.vector_load %arg7[%swap3A_422] {strides = array<i32>} : memref<16384xf32, #tpu.memory_space<vmem>>, vector<16xf32>,
        %swap3A_424 = vector.shape_cast %swap3A_423 : vector<16xf32> to vector<16xf32>
        %swap3A_425 = vector.shape_cast %add3A_421 : vector<16xf32> to vector<16xf32>
        tpu.vector_store %arg7[%swap3A_422], %swap3A_425 {strides = array<i32>} : memref<16384xf32, #tpu.memory_space<vmem>>, vector<16xf32>,
      }
      %scan3A_66 = arith.constant 256 : i32
      %add3A_67 = arith.constant 0 : i32
      %add3A_68 = arith.addi %add3A_67, %mul3A_2 : i32
      %mul3A_69 = arith.constant 16384 : i32
      %mul3A_70 = arith.muli %add3A_42, %mul3A_69 : i32
      %add3A_71 = arith.addi %add3A_68, %mul3A_70 : i32
      %dma_start3A_72 = tpu.memref_slice %arg4[%add3A_71] : memref<33554432xf32, #tpu.memory_space<hbm>> -> memref<16384xf32, #tpu.memory_space<hbm>>
      %dma_start3A_73 = tpu.memref_slice %arg4[%add3A_71] : memref<33554432xf32, #tpu.memory_space<hbm>> -> memref<16384xf32, #tpu.memory_space<hbm>>
      tpu.enqueue_dma source(%arg7 : memref<16384xf32, #tpu.memory_space<vmem>>) target(%dma_start3A_73 : memref<16384xf32, #tpu.memory_space<hbm>>) target_semaphore(%arg13 : memref<!tpu.dma_semaphore, #tpu.memory_space<semaphore_mem>>)
      %add3A_74 = arith.constant 0 : i32
      %add3A_75 = arith.addi %add3A_42, %add3A_74 : i32
      %lt3A = arith.constant 16 : i32
      %lt3A_76 = arith.cmpi slt, %add3A_75, %lt3A : i32
      %convert_element_type3A_77 = arith.extui %lt3A_76 : i1 to i32
      %cond3A_78 = arith.constant 0 : i32
      %cond3A_79 = arith.cmpi ne, %convert_element_type3A_77, %cond3A_78 : i32
      scf.if %cond3A_79 {
        %add3A_367 = arith.constant 16777216 : i32
        %add3A_368 = arith.addi %add3A_367, %mul3A_2 : i32
        %mul3A_369 = arith.constant 16384 : i32
        %mul3A_370 = arith.muli %add3A_75, %mul3A_369 : i32
        %add3A_371 = arith.addi %add3A_368, %mul3A_370 : i32
        %dma_start3A_372 = tpu.memref_slice %arg2[%add3A_371] : memref<33554432xf32, #tpu.memory_space<hbm>> -> memref<16384xf32, #tpu.memory_space<hbm>>
        %dma_start3A_373 = tpu.memref_slice %arg2[%add3A_371] : memref<33554432xf32, #tpu.memory_space<hbm>> -> memref<16384xf32, #tpu.memory_space<hbm>>
        tpu.enqueue_dma source(%dma_start3A_373 : memref<16384xf32, #tpu.memory_space<hbm>>) target(%arg5 : memref<16384xf32, #tpu.memory_space<vmem>>) target_semaphore(%arg11 : memref<!tpu.dma_semaphore, #tpu.memory_space<semaphore_mem>>)
      } else {
      }
      %mul3A_80 = arith.constant 4 : i32
      %mul3A_81 = arith.muli %add3A_42, %mul3A_80 : i32
      %add3A_82 = arith.constant 1 : i32
      %add3A_83 = arith.addi %mul3A_81, %add3A_82 : i32
      %add3A_84 = arith.constant 8388608 : i32
      %add3A_85 = arith.addi %add3A_84, %mul3A_2 : i32
      %mul3A_86 = arith.constant 16384 : i32
      %mul3A_87 = arith.muli %add3A_42, %mul3A_86 : i32
      %add3A_88 = arith.addi %add3A_85, %mul3A_87 : i32
      %dma_wait3A_89 = tpu.memref_slice %arg2[%add3A_88] : memref<33554432xf32, #tpu.memory_space<hbm>> -> memref<16384xf32, #tpu.memory_space<hbm>>
      %dma_wait3A_90 = tpu.memref_slice %arg2[%add3A_88] : memref<33554432xf32, #tpu.memory_space<hbm>> -> memref<16384xf32, #tpu.memory_space<hbm>>
      tpu.wait_dma2 semaphore(%arg12 : memref<!tpu.dma_semaphore, #tpu.memory_space<semaphore_mem>>) src(%dma_wait3A_90 : memref<16384xf32, #tpu.memory_space<hbm>>) dst(%arg6 : memref<16384xf32, #tpu.memory_space<vmem>>)
      %ge3A_91 = arith.constant 1 : i32
      %ge3A_92 = arith.cmpi sge, %scan3A_38, %ge3A_91 : i32
      %convert_element_type3A_93 = arith.extui %ge3A_92 : i1 to i32
      %cond3A_94 = arith.constant 0 : i32
      %cond3A_95 = arith.cmpi ne, %convert_element_type3A_93, %cond3A_94 : i32
      scf.if %cond3A_95 {
        %add3A_367 = arith.constant 8388608 : i32
        %add3A_368 = arith.addi %add3A_367, %mul3A_2 : i32
        %mul3A_369 = arith.constant 16384 : i32
        %mul3A_370 = arith.muli %add3A_42, %mul3A_369 : i32
        %add3A_371 = arith.addi %add3A_368, %mul3A_370 : i32
        %dma_wait3A_372 = tpu.memref_slice %arg4[%add3A_371] : memref<33554432xf32, #tpu.memory_space<hbm>> -> memref<16384xf32, #tpu.memory_space<hbm>>
        %dma_wait3A_373 = tpu.memref_slice %arg4[%add3A_371] : memref<33554432xf32, #tpu.memory_space<hbm>> -> memref<16384xf32, #tpu.memory_space<hbm>>
        tpu.wait_dma2 semaphore(%arg14 : memref<!tpu.dma_semaphore, #tpu.memory_space<semaphore_mem>>) src(%arg8 : memref<16384xf32, #tpu.memory_space<vmem>>) dst(%dma_wait3A_373 : memref<16384xf32, #tpu.memory_space<hbm>>)
      } else {
      }
      %scan3A_96 = arith.constant 0 : i32
      %scan3A_97 = arith.constant 0 : i32
      %scan3A_98 = arith.constant 256 : i32
      %scan3A_99 = arith.addi %scan3A_97, %scan3A_98 : i32
      %scan3A_100 = arith.constant 1 : i32
      scf.for %scan3A_367 = %scan3A_97 to %scan3A_99 step %scan3A_100  : i32 {
        %mul3A_368 = arith.constant 64 : i32
        %mul3A_369 = arith.muli %scan3A_367, %mul3A_368 : i32
        %add3A_370 = arith.constant 0 : i32
        %add3A_371 = arith.addi %mul3A_369, %add3A_370 : i32
        %get3A = arith.index_cast %add3A_371 : i32 to index
        %get3A_372 = tpu.vector_load %arg6[%get3A] {strides = array<i32>} : memref<16384xf32, #tpu.memory_space<vmem>>, vector<16xf32>,
        %get3A_373 = vector.shape_cast %get3A_372 : vector<16xf32> to vector<16xf32>
        %get3A_374 = arith.index_cast %add3A_371 : i32 to index
        %get3A_375 = tpu.vector_load %arg9[%get3A_374] {strides = array<i32>} : memref<16384xf32, #tpu.memory_space<vmem>>, vector<16xf32>,
        %get3A_376 = vector.shape_cast %get3A_375 : vector<16xf32> to vector<16xf32>
        %add3A_377 = arith.addf %get3A_373, %get3A_376 : vector<16xf32>
        %swap3A = arith.index_cast %add3A_371 : i32 to index
        %swap3A_378 = tpu.vector_load %arg8[%swap3A] {strides = array<i32>} : memref<16384xf32, #tpu.memory_space<vmem>>, vector<16xf32>,
        %swap3A_379 = vector.shape_cast %swap3A_378 : vector<16xf32> to vector<16xf32>
        %swap3A_380 = vector.shape_cast %add3A_377 : vector<16xf32> to vector<16xf32>
        tpu.vector_store %arg8[%swap3A], %swap3A_380 {strides = array<i32>} : memref<16384xf32, #tpu.memory_space<vmem>>, vector<16xf32>,
        %mul3A_381 = arith.constant 64 : i32
        %mul3A_382 = arith.muli %scan3A_367, %mul3A_381 : i32
        %add3A_383 = arith.constant 16 : i32
        %add3A_384 = arith.addi %mul3A_382, %add3A_383 : i32
        %get3A_385 = arith.index_cast %add3A_384 : i32 to index
        %get3A_386 = tpu.vector_load %arg6[%get3A_385] {strides = array<i32>} : memref<16384xf32, #tpu.memory_space<vmem>>, vector<16xf32>,
        %get3A_387 = vector.shape_cast %get3A_386 : vector<16xf32> to vector<16xf32>
        %get3A_388 = arith.index_cast %add3A_384 : i32 to index
        %get3A_389 = tpu.vector_load %arg9[%get3A_388] {strides = array<i32>} : memref<16384xf32, #tpu.memory_space<vmem>>, vector<16xf32>,
        %get3A_390 = vector.shape_cast %get3A_389 : vector<16xf32> to vector<16xf32>
        %add3A_391 = arith.addf %get3A_387, %get3A_390 : vector<16xf32>
        %swap3A_392 = arith.index_cast %add3A_384 : i32 to index
        %swap3A_393 = tpu.vector_load %arg8[%swap3A_392] {strides = array<i32>} : memref<16384xf32, #tpu.memory_space<vmem>>, vector<16xf32>,
        %swap3A_394 = vector.shape_cast %swap3A_393 : vector<16xf32> to vector<16xf32>
        %swap3A_395 = vector.shape_cast %add3A_391 : vector<16xf32> to vector<16xf32>
        tpu.vector_store %arg8[%swap3A_392], %swap3A_395 {strides = array<i32>} : memref<16384xf32, #tpu.memory_space<vmem>>, vector<16xf32>,
        %mul3A_396 = arith.constant 64 : i32
        %mul3A_397 = arith.muli %scan3A_367, %mul3A_396 : i32
        %add3A_398 = arith.constant 32 : i32
        %add3A_399 = arith.addi %mul3A_397, %add3A_398 : i32
        %get3A_400 = arith.index_cast %add3A_399 : i32 to index
        %get3A_401 = tpu.vector_load %arg6[%get3A_400] {strides = array<i32>} : memref<16384xf32, #tpu.memory_space<vmem>>, vector<16xf32>,
        %get3A_402 = vector.shape_cast %get3A_401 : vector<16xf32> to vector<16xf32>
        %get3A_403 = arith.index_cast %add3A_399 : i32 to index
        %get3A_404 = tpu.vector_load %arg9[%get3A_403] {strides = array<i32>} : memref<16384xf32, #tpu.memory_space<vmem>>, vector<16xf32>,
        %get3A_405 = vector.shape_cast %get3A_404 : vector<16xf32> to vector<16xf32>
        %add3A_406 = arith.addf %get3A_402, %get3A_405 : vector<16xf32>
        %swap3A_407 = arith.index_cast %add3A_399 : i32 to index
        %swap3A_408 = tpu.vector_load %arg8[%swap3A_407] {strides = array<i32>} : memref<16384xf32, #tpu.memory_space<vmem>>, vector<16xf32>,
        %swap3A_409 = vector.shape_cast %swap3A_408 : vector<16xf32> to vector<16xf32>
        %swap3A_410 = vector.shape_cast %add3A_406 : vector<16xf32> to vector<16xf32>
        tpu.vector_store %arg8[%swap3A_407], %swap3A_410 {strides = array<i32>} : memref<16384xf32, #tpu.memory_space<vmem>>, vector<16xf32>,
        %mul3A_411 = arith.constant 64 : i32
        %mul3A_412 = arith.muli %scan3A_367, %mul3A_411 : i32
        %add3A_413 = arith.constant 48 : i32
        %add3A_414 = arith.addi %mul3A_412, %add3A_413 : i32
        %get3A_415 = arith.index_cast %add3A_414 : i32 to index
        %get3A_416 = tpu.vector_load %arg6[%get3A_415] {strides = array<i32>} : memref<16384xf32, #tpu.memory_space<vmem>>, vector<16xf32>,
        %get3A_417 = vector.shape_cast %get3A_416 : vector<16xf32> to vector<16xf32>
        %get3A_418 = arith.index_cast %add3A_414 : i32 to index
        %get3A_419 = tpu.vector_load %arg9[%get3A_418] {strides = array<i32>} : memref<16384xf32, #tpu.memory_space<vmem>>, vector<16xf32>,
        %get3A_420 = vector.shape_cast %get3A_419 : vector<16xf32> to vector<16xf32>
        %add3A_421 = arith.addf %get3A_417, %get3A_420 : vector<16xf32>
        %swap3A_422 = arith.index_cast %add3A_414 : i32 to index
        %swap3A_423 = tpu.vector_load %arg8[%swap3A_422] {strides = array<i32>} : memref<16384xf32, #tpu.memory_space<vmem>>, vector<16xf32>,
        %swap3A_424 = vector.shape_cast %swap3A_423 : vector<16xf32> to vector<16xf32>
        %swap3A_425 = vector.shape_cast %add3A_421 : vector<16xf32> to vector<16xf32>
        tpu.vector_store %arg8[%swap3A_422], %swap3A_425 {strides = array<i32>} : memref<16384xf32, #tpu.memory_space<vmem>>, vector<16xf32>,
      }
      %scan3A_101 = arith.constant 256 : i32
      %add3A_102 = arith.constant 8388608 : i32
      %add3A_103 = arith.addi %add3A_102, %mul3A_2 : i32
      %mul3A_104 = arith.constant 16384 : i32
      %mul3A_105 = arith.muli %add3A_42, %mul3A_104 : i32
      %add3A_106 = arith.addi %add3A_103, %mul3A_105 : i32
      %dma_start3A_107 = tpu.memref_slice %arg4[%add3A_106] : memref<33554432xf32, #tpu.memory_space<hbm>> -> memref<16384xf32, #tpu.memory_space<hbm>>
      %dma_start3A_108 = tpu.memref_slice %arg4[%add3A_106] : memref<33554432xf32, #tpu.memory_space<hbm>> -> memref<16384xf32, #tpu.memory_space<hbm>>
      tpu.enqueue_dma source(%arg8 : memref<16384xf32, #tpu.memory_space<vmem>>) target(%dma_start3A_108 : memref<16384xf32, #tpu.memory_space<hbm>>) target_semaphore(%arg14 : memref<!tpu.dma_semaphore, #tpu.memory_space<semaphore_mem>>)
      %add3A_109 = arith.constant 0 : i32
      %add3A_110 = arith.addi %add3A_42, %add3A_109 : i32
      %lt3A_111 = arith.constant 16 : i32
      %lt3A_112 = arith.cmpi slt, %add3A_110, %lt3A_111 : i32
      %convert_element_type3A_113 = arith.extui %lt3A_112 : i1 to i32
      %cond3A_114 = arith.constant 0 : i32
      %cond3A_115 = arith.cmpi ne, %convert_element_type3A_113, %cond3A_114 : i32
      scf.if %cond3A_115 {
        %add3A_367 = arith.constant 25165824 : i32
        %add3A_368 = arith.addi %add3A_367, %mul3A_2 : i32
        %mul3A_369 = arith.constant 16384 : i32
        %mul3A_370 = arith.muli %add3A_110, %mul3A_369 : i32
        %add3A_371 = arith.addi %add3A_368, %mul3A_370 : i32
        %dma_start3A_372 = tpu.memref_slice %arg2[%add3A_371] : memref<33554432xf32, #tpu.memory_space<hbm>> -> memref<16384xf32, #tpu.memory_space<hbm>>
        %dma_start3A_373 = tpu.memref_slice %arg2[%add3A_371] : memref<33554432xf32, #tpu.memory_space<hbm>> -> memref<16384xf32, #tpu.memory_space<hbm>>
        tpu.enqueue_dma source(%dma_start3A_373 : memref<16384xf32, #tpu.memory_space<hbm>>) target(%arg6 : memref<16384xf32, #tpu.memory_space<vmem>>) target_semaphore(%arg12 : memref<!tpu.dma_semaphore, #tpu.memory_space<semaphore_mem>>)
      } else {
      }
      %mul3A_116 = arith.constant 4 : i32
      %mul3A_117 = arith.muli %add3A_42, %mul3A_116 : i32
      %add3A_118 = arith.constant 2 : i32
      %add3A_119 = arith.addi %mul3A_117, %add3A_118 : i32
      %add3A_120 = arith.constant 16777216 : i32
      %add3A_121 = arith.addi %add3A_120, %mul3A_2 : i32
      %mul3A_122 = arith.constant 16384 : i32
      %mul3A_123 = arith.muli %add3A_42, %mul3A_122 : i32
      %add3A_124 = arith.addi %add3A_121, %mul3A_123 : i32
      %dma_wait3A_125 = tpu.memref_slice %arg2[%add3A_124] : memref<33554432xf32, #tpu.memory_space<hbm>> -> memref<16384xf32, #tpu.memory_space<hbm>>
      %dma_wait3A_126 = tpu.memref_slice %arg2[%add3A_124] : memref<33554432xf32, #tpu.memory_space<hbm>> -> memref<16384xf32, #tpu.memory_space<hbm>>
      tpu.wait_dma2 semaphore(%arg11 : memref<!tpu.dma_semaphore, #tpu.memory_space<semaphore_mem>>) src(%dma_wait3A_126 : memref<16384xf32, #tpu.memory_space<hbm>>) dst(%arg5 : memref<16384xf32, #tpu.memory_space<vmem>>)
      %add3A_127 = arith.constant 16777216 : i32
      %add3A_128 = arith.addi %add3A_127, %mul3A_2 : i32
      %mul3A_129 = arith.constant 16384 : i32
      %mul3A_130 = arith.muli %add3A_42, %mul3A_129 : i32
      %add3A_131 = arith.addi %add3A_128, %mul3A_130 : i32
      %dma_wait3A_132 = tpu.memref_slice %arg4[%add3A_131] : memref<33554432xf32, #tpu.memory_space<hbm>> -> memref<16384xf32, #tpu.memory_space<hbm>>
      %dma_wait3A_133 = tpu.memref_slice %arg4[%add3A_131] : memref<33554432xf32, #tpu.memory_space<hbm>> -> memref<16384xf32, #tpu.memory_space<hbm>>
      tpu.wait_dma2 semaphore(%arg13 : memref<!tpu.dma_semaphore, #tpu.memory_space<semaphore_mem>>) src(%arg7 : memref<16384xf32, #tpu.memory_space<vmem>>) dst(%dma_wait3A_133 : memref<16384xf32, #tpu.memory_space<hbm>>)
      %scan3A_134 = arith.constant 0 : i32
      %scan3A_135 = arith.constant 0 : i32
      %scan3A_136 = arith.constant 256 : i32
      %scan3A_137 = arith.addi %scan3A_135, %scan3A_136 : i32
      %scan3A_138 = arith.constant 1 : i32
      scf.for %scan3A_367 = %scan3A_135 to %scan3A_137 step %scan3A_138  : i32 {
        %mul3A_368 = arith.constant 64 : i32
        %mul3A_369 = arith.muli %scan3A_367, %mul3A_368 : i32
        %add3A_370 = arith.constant 0 : i32
        %add3A_371 = arith.addi %mul3A_369, %add3A_370 : i32
        %get3A = arith.index_cast %add3A_371 : i32 to index
        %get3A_372 = tpu.vector_load %arg5[%get3A] {strides = array<i32>} : memref<16384xf32, #tpu.memory_space<vmem>>, vector<16xf32>,
        %get3A_373 = vector.shape_cast %get3A_372 : vector<16xf32> to vector<16xf32>
        %get3A_374 = arith.index_cast %add3A_371 : i32 to index
        %get3A_375 = tpu.vector_load %arg9[%get3A_374] {strides = array<i32>} : memref<16384xf32, #tpu.memory_space<vmem>>, vector<16xf32>,
        %get3A_376 = vector.shape_cast %get3A_375 : vector<16xf32> to vector<16xf32>
        %add3A_377 = arith.addf %get3A_373, %get3A_376 : vector<16xf32>
        %swap3A = arith.index_cast %add3A_371 : i32 to index
        %swap3A_378 = tpu.vector_load %arg7[%swap3A] {strides = array<i32>} : memref<16384xf32, #tpu.memory_space<vmem>>, vector<16xf32>,
        %swap3A_379 = vector.shape_cast %swap3A_378 : vector<16xf32> to vector<16xf32>
        %swap3A_380 = vector.shape_cast %add3A_377 : vector<16xf32> to vector<16xf32>
        tpu.vector_store %arg7[%swap3A], %swap3A_380 {strides = array<i32>} : memref<16384xf32, #tpu.memory_space<vmem>>, vector<16xf32>,
        %mul3A_381 = arith.constant 64 : i32
        %mul3A_382 = arith.muli %scan3A_367, %mul3A_381 : i32
        %add3A_383 = arith.constant 16 : i32
        %add3A_384 = arith.addi %mul3A_382, %add3A_383 : i32
        %get3A_385 = arith.index_cast %add3A_384 : i32 to index
        %get3A_386 = tpu.vector_load %arg5[%get3A_385] {strides = array<i32>} : memref<16384xf32, #tpu.memory_space<vmem>>, vector<16xf32>,
        %get3A_387 = vector.shape_cast %get3A_386 : vector<16xf32> to vector<16xf32>
        %get3A_388 = arith.index_cast %add3A_384 : i32 to index
        %get3A_389 = tpu.vector_load %arg9[%get3A_388] {strides = array<i32>} : memref<16384xf32, #tpu.memory_space<vmem>>, vector<16xf32>,
        %get3A_390 = vector.shape_cast %get3A_389 : vector<16xf32> to vector<16xf32>
        %add3A_391 = arith.addf %get3A_387, %get3A_390 : vector<16xf32>
        %swap3A_392 = arith.index_cast %add3A_384 : i32 to index
        %swap3A_393 = tpu.vector_load %arg7[%swap3A_392] {strides = array<i32>} : memref<16384xf32, #tpu.memory_space<vmem>>, vector<16xf32>,
        %swap3A_394 = vector.shape_cast %swap3A_393 : vector<16xf32> to vector<16xf32>
        %swap3A_395 = vector.shape_cast %add3A_391 : vector<16xf32> to vector<16xf32>
        tpu.vector_store %arg7[%swap3A_392], %swap3A_395 {strides = array<i32>} : memref<16384xf32, #tpu.memory_space<vmem>>, vector<16xf32>,
        %mul3A_396 = arith.constant 64 : i32
        %mul3A_397 = arith.muli %scan3A_367, %mul3A_396 : i32
        %add3A_398 = arith.constant 32 : i32
        %add3A_399 = arith.addi %mul3A_397, %add3A_398 : i32
        %get3A_400 = arith.index_cast %add3A_399 : i32 to index
        %get3A_401 = tpu.vector_load %arg5[%get3A_400] {strides = array<i32>} : memref<16384xf32, #tpu.memory_space<vmem>>, vector<16xf32>,
        %get3A_402 = vector.shape_cast %get3A_401 : vector<16xf32> to vector<16xf32>
        %get3A_403 = arith.index_cast %add3A_399 : i32 to index
        %get3A_404 = tpu.vector_load %arg9[%get3A_403] {strides = array<i32>} : memref<16384xf32, #tpu.memory_space<vmem>>, vector<16xf32>,
        %get3A_405 = vector.shape_cast %get3A_404 : vector<16xf32> to vector<16xf32>
        %add3A_406 = arith.addf %get3A_402, %get3A_405 : vector<16xf32>
        %swap3A_407 = arith.index_cast %add3A_399 : i32 to index
        %swap3A_408 = tpu.vector_load %arg7[%swap3A_407] {strides = array<i32>} : memref<16384xf32, #tpu.memory_space<vmem>>, vector<16xf32>,
        %swap3A_409 = vector.shape_cast %swap3A_408 : vector<16xf32> to vector<16xf32>
        %swap3A_410 = vector.shape_cast %add3A_406 : vector<16xf32> to vector<16xf32>
        tpu.vector_store %arg7[%swap3A_407], %swap3A_410 {strides = array<i32>} : memref<16384xf32, #tpu.memory_space<vmem>>, vector<16xf32>,
        %mul3A_411 = arith.constant 64 : i32
        %mul3A_412 = arith.muli %scan3A_367, %mul3A_411 : i32
        %add3A_413 = arith.constant 48 : i32
        %add3A_414 = arith.addi %mul3A_412, %add3A_413 : i32
        %get3A_415 = arith.index_cast %add3A_414 : i32 to index
        %get3A_416 = tpu.vector_load %arg5[%get3A_415] {strides = array<i32>} : memref<16384xf32, #tpu.memory_space<vmem>>, vector<16xf32>,
        %get3A_417 = vector.shape_cast %get3A_416 : vector<16xf32> to vector<16xf32>
        %get3A_418 = arith.index_cast %add3A_414 : i32 to index
        %get3A_419 = tpu.vector_load %arg9[%get3A_418] {strides = array<i32>} : memref<16384xf32, #tpu.memory_space<vmem>>, vector<16xf32>,
        %get3A_420 = vector.shape_cast %get3A_419 : vector<16xf32> to vector<16xf32>
        %add3A_421 = arith.addf %get3A_417, %get3A_420 : vector<16xf32>
        %swap3A_422 = arith.index_cast %add3A_414 : i32 to index
        %swap3A_423 = tpu.vector_load %arg7[%swap3A_422] {strides = array<i32>} : memref<16384xf32, #tpu.memory_space<vmem>>, vector<16xf32>,
        %swap3A_424 = vector.shape_cast %swap3A_423 : vector<16xf32> to vector<16xf32>
        %swap3A_425 = vector.shape_cast %add3A_421 : vector<16xf32> to vector<16xf32>
        tpu.vector_store %arg7[%swap3A_422], %swap3A_425 {strides = array<i32>} : memref<16384xf32, #tpu.memory_space<vmem>>, vector<16xf32>,
      }
      %scan3A_139 = arith.constant 256 : i32
      %add3A_140 = arith.constant 16777216 : i32
      %add3A_141 = arith.addi %add3A_140, %mul3A_2 : i32
      %mul3A_142 = arith.constant 16384 : i32
      %mul3A_143 = arith.muli %add3A_42, %mul3A_142 : i32
      %add3A_144 = arith.addi %add3A_141, %mul3A_143 : i32
      %dma_start3A_145 = tpu.memref_slice %arg4[%add3A_144] : memref<33554432xf32, #tpu.memory_space<hbm>> -> memref<16384xf32, #tpu.memory_space<hbm>>
      %dma_start3A_146 = tpu.memref_slice %arg4[%add3A_144] : memref<33554432xf32, #tpu.memory_space<hbm>> -> memref<16384xf32, #tpu.memory_space<hbm>>
      tpu.enqueue_dma source(%arg7 : memref<16384xf32, #tpu.memory_space<vmem>>) target(%dma_start3A_146 : memref<16384xf32, #tpu.memory_space<hbm>>) target_semaphore(%arg13 : memref<!tpu.dma_semaphore, #tpu.memory_space<semaphore_mem>>)
      %add3A_147 = arith.constant 1 : i32
      %add3A_148 = arith.addi %add3A_42, %add3A_147 : i32
      %lt3A_149 = arith.constant 16 : i32
      %lt3A_150 = arith.cmpi slt, %add3A_148, %lt3A_149 : i32
      %convert_element_type3A_151 = arith.extui %lt3A_150 : i1 to i32
      %cond3A_152 = arith.constant 0 : i32
      %cond3A_153 = arith.cmpi ne, %convert_element_type3A_151, %cond3A_152 : i32
      scf.if %cond3A_153 {
        %add3A_367 = arith.constant 0 : i32
        %add3A_368 = arith.addi %add3A_367, %mul3A_2 : i32
        %mul3A_369 = arith.constant 16384 : i32
        %mul3A_370 = arith.muli %add3A_148, %mul3A_369 : i32
        %add3A_371 = arith.addi %add3A_368, %mul3A_370 : i32
        %dma_start3A_372 = tpu.memref_slice %arg2[%add3A_371] : memref<33554432xf32, #tpu.memory_space<hbm>> -> memref<16384xf32, #tpu.memory_space<hbm>>
        %dma_start3A_373 = tpu.memref_slice %arg2[%add3A_371] : memref<33554432xf32, #tpu.memory_space<hbm>> -> memref<16384xf32, #tpu.memory_space<hbm>>
        tpu.enqueue_dma source(%dma_start3A_373 : memref<16384xf32, #tpu.memory_space<hbm>>) target(%arg5 : memref<16384xf32, #tpu.memory_space<vmem>>) target_semaphore(%arg11 : memref<!tpu.dma_semaphore, #tpu.memory_space<semaphore_mem>>)
      } else {
      }
      %mul3A_154 = arith.constant 4 : i32
      %mul3A_155 = arith.muli %add3A_42, %mul3A_154 : i32
      %add3A_156 = arith.constant 3 : i32
      %add3A_157 = arith.addi %mul3A_155, %add3A_156 : i32
      %add3A_158 = arith.constant 25165824 : i32
      %add3A_159 = arith.addi %add3A_158, %mul3A_2 : i32
      %mul3A_160 = arith.constant 16384 : i32
      %mul3A_161 = arith.muli %add3A_42, %mul3A_160 : i32
      %add3A_162 = arith.addi %add3A_159, %mul3A_161 : i32
      %dma_wait3A_163 = tpu.memref_slice %arg2[%add3A_162] : memref<33554432xf32, #tpu.memory_space<hbm>> -> memref<16384xf32, #tpu.memory_space<hbm>>
      %dma_wait3A_164 = tpu.memref_slice %arg2[%add3A_162] : memref<33554432xf32, #tpu.memory_space<hbm>> -> memref<16384xf32, #tpu.memory_space<hbm>>
      tpu.wait_dma2 semaphore(%arg12 : memref<!tpu.dma_semaphore, #tpu.memory_space<semaphore_mem>>) src(%dma_wait3A_164 : memref<16384xf32, #tpu.memory_space<hbm>>) dst(%arg6 : memref<16384xf32, #tpu.memory_space<vmem>>)
      %add3A_165 = arith.constant 25165824 : i32
      %add3A_166 = arith.addi %add3A_165, %mul3A_2 : i32
      %mul3A_167 = arith.constant 16384 : i32
      %mul3A_168 = arith.muli %add3A_42, %mul3A_167 : i32
      %add3A_169 = arith.addi %add3A_166, %mul3A_168 : i32
      %dma_wait3A_170 = tpu.memref_slice %arg4[%add3A_169] : memref<33554432xf32, #tpu.memory_space<hbm>> -> memref<16384xf32, #tpu.memory_space<hbm>>
      %dma_wait3A_171 = tpu.memref_slice %arg4[%add3A_169] : memref<33554432xf32, #tpu.memory_space<hbm>> -> memref<16384xf32, #tpu.memory_space<hbm>>
      tpu.wait_dma2 semaphore(%arg14 : memref<!tpu.dma_semaphore, #tpu.memory_space<semaphore_mem>>) src(%arg8 : memref<16384xf32, #tpu.memory_space<vmem>>) dst(%dma_wait3A_171 : memref<16384xf32, #tpu.memory_space<hbm>>)
      %scan3A_172 = arith.constant 0 : i32
      %scan3A_173 = arith.constant 0 : i32
      %scan3A_174 = arith.constant 256 : i32
      %scan3A_175 = arith.addi %scan3A_173, %scan3A_174 : i32
      %scan3A_176 = arith.constant 1 : i32
      scf.for %scan3A_367 = %scan3A_173 to %scan3A_175 step %scan3A_176  : i32 {
        %mul3A_368 = arith.constant 64 : i32
        %mul3A_369 = arith.muli %scan3A_367, %mul3A_368 : i32
        %add3A_370 = arith.constant 0 : i32
        %add3A_371 = arith.addi %mul3A_369, %add3A_370 : i32
        %get3A = arith.index_cast %add3A_371 : i32 to index
        %get3A_372 = tpu.vector_load %arg6[%get3A] {strides = array<i32>} : memref<16384xf32, #tpu.memory_space<vmem>>, vector<16xf32>,
        %get3A_373 = vector.shape_cast %get3A_372 : vector<16xf32> to vector<16xf32>
        %get3A_374 = arith.index_cast %add3A_371 : i32 to index
        %get3A_375 = tpu.vector_load %arg9[%get3A_374] {strides = array<i32>} : memref<16384xf32, #tpu.memory_space<vmem>>, vector<16xf32>,
        %get3A_376 = vector.shape_cast %get3A_375 : vector<16xf32> to vector<16xf32>
        %add3A_377 = arith.addf %get3A_373, %get3A_376 : vector<16xf32>
        %swap3A = arith.index_cast %add3A_371 : i32 to index
        %swap3A_378 = tpu.vector_load %arg8[%swap3A] {strides = array<i32>} : memref<16384xf32, #tpu.memory_space<vmem>>, vector<16xf32>,
        %swap3A_379 = vector.shape_cast %swap3A_378 : vector<16xf32> to vector<16xf32>
        %swap3A_380 = vector.shape_cast %add3A_377 : vector<16xf32> to vector<16xf32>
        tpu.vector_store %arg8[%swap3A], %swap3A_380 {strides = array<i32>} : memref<16384xf32, #tpu.memory_space<vmem>>, vector<16xf32>,
        %mul3A_381 = arith.constant 64 : i32
        %mul3A_382 = arith.muli %scan3A_367, %mul3A_381 : i32
        %add3A_383 = arith.constant 16 : i32
        %add3A_384 = arith.addi %mul3A_382, %add3A_383 : i32
        %get3A_385 = arith.index_cast %add3A_384 : i32 to index
        %get3A_386 = tpu.vector_load %arg6[%get3A_385] {strides = array<i32>} : memref<16384xf32, #tpu.memory_space<vmem>>, vector<16xf32>,
        %get3A_387 = vector.shape_cast %get3A_386 : vector<16xf32> to vector<16xf32>
        %get3A_388 = arith.index_cast %add3A_384 : i32 to index
        %get3A_389 = tpu.vector_load %arg9[%get3A_388] {strides = array<i32>} : memref<16384xf32, #tpu.memory_space<vmem>>, vector<16xf32>,
        %get3A_390 = vector.shape_cast %get3A_389 : vector<16xf32> to vector<16xf32>
        %add3A_391 = arith.addf %get3A_387, %get3A_390 : vector<16xf32>
        %swap3A_392 = arith.index_cast %add3A_384 : i32 to index
        %swap3A_393 = tpu.vector_load %arg8[%swap3A_392] {strides = array<i32>} : memref<16384xf32, #tpu.memory_space<vmem>>, vector<16xf32>,
        %swap3A_394 = vector.shape_cast %swap3A_393 : vector<16xf32> to vector<16xf32>
        %swap3A_395 = vector.shape_cast %add3A_391 : vector<16xf32> to vector<16xf32>
        tpu.vector_store %arg8[%swap3A_392], %swap3A_395 {strides = array<i32>} : memref<16384xf32, #tpu.memory_space<vmem>>, vector<16xf32>,
        %mul3A_396 = arith.constant 64 : i32
        %mul3A_397 = arith.muli %scan3A_367, %mul3A_396 : i32
        %add3A_398 = arith.constant 32 : i32
        %add3A_399 = arith.addi %mul3A_397, %add3A_398 : i32
        %get3A_400 = arith.index_cast %add3A_399 : i32 to index
        %get3A_401 = tpu.vector_load %arg6[%get3A_400] {strides = array<i32>} : memref<16384xf32, #tpu.memory_space<vmem>>, vector<16xf32>,
        %get3A_402 = vector.shape_cast %get3A_401 : vector<16xf32> to vector<16xf32>
        %get3A_403 = arith.index_cast %add3A_399 : i32 to index
        %get3A_404 = tpu.vector_load %arg9[%get3A_403] {strides = array<i32>} : memref<16384xf32, #tpu.memory_space<vmem>>, vector<16xf32>,
        %get3A_405 = vector.shape_cast %get3A_404 : vector<16xf32> to vector<16xf32>
        %add3A_406 = arith.addf %get3A_402, %get3A_405 : vector<16xf32>
        %swap3A_407 = arith.index_cast %add3A_399 : i32 to index
        %swap3A_408 = tpu.vector_load %arg8[%swap3A_407] {strides = array<i32>} : memref<16384xf32, #tpu.memory_space<vmem>>, vector<16xf32>,
        %swap3A_409 = vector.shape_cast %swap3A_408 : vector<16xf32> to vector<16xf32>
        %swap3A_410 = vector.shape_cast %add3A_406 : vector<16xf32> to vector<16xf32>
        tpu.vector_store %arg8[%swap3A_407], %swap3A_410 {strides = array<i32>} : memref<16384xf32, #tpu.memory_space<vmem>>, vector<16xf32>,
        %mul3A_411 = arith.constant 64 : i32
        %mul3A_412 = arith.muli %scan3A_367, %mul3A_411 : i32
        %add3A_413 = arith.constant 48 : i32
        %add3A_414 = arith.addi %mul3A_412, %add3A_413 : i32
        %get3A_415 = arith.index_cast %add3A_414 : i32 to index
        %get3A_416 = tpu.vector_load %arg6[%get3A_415] {strides = array<i32>} : memref<16384xf32, #tpu.memory_space<vmem>>, vector<16xf32>,
        %get3A_417 = vector.shape_cast %get3A_416 : vector<16xf32> to vector<16xf32>
        %get3A_418 = arith.index_cast %add3A_414 : i32 to index
        %get3A_419 = tpu.vector_load %arg9[%get3A_418] {strides = array<i32>} : memref<16384xf32, #tpu.memory_space<vmem>>, vector<16xf32>,
        %get3A_420 = vector.shape_cast %get3A_419 : vector<16xf32> to vector<16xf32>
        %add3A_421 = arith.addf %get3A_417, %get3A_420 : vector<16xf32>
        %swap3A_422 = arith.index_cast %add3A_414 : i32 to index
        %swap3A_423 = tpu.vector_load %arg8[%swap3A_422] {strides = array<i32>} : memref<16384xf32, #tpu.memory_space<vmem>>, vector<16xf32>,
        %swap3A_424 = vector.shape_cast %swap3A_423 : vector<16xf32> to vector<16xf32>
        %swap3A_425 = vector.shape_cast %add3A_421 : vector<16xf32> to vector<16xf32>
        tpu.vector_store %arg8[%swap3A_422], %swap3A_425 {strides = array<i32>} : memref<16384xf32, #tpu.memory_space<vmem>>, vector<16xf32>,
      }
      %scan3A_177 = arith.constant 256 : i32
      %add3A_178 = arith.constant 25165824 : i32
      %add3A_179 = arith.addi %add3A_178, %mul3A_2 : i32
      %mul3A_180 = arith.constant 16384 : i32
      %mul3A_181 = arith.muli %add3A_42, %mul3A_180 : i32
      %add3A_182 = arith.addi %add3A_179, %mul3A_181 : i32
      %dma_start3A_183 = tpu.memref_slice %arg4[%add3A_182] : memref<33554432xf32, #tpu.memory_space<hbm>> -> memref<16384xf32, #tpu.memory_space<hbm>>
      %dma_start3A_184 = tpu.memref_slice %arg4[%add3A_182] : memref<33554432xf32, #tpu.memory_space<hbm>> -> memref<16384xf32, #tpu.memory_space<hbm>>
      tpu.enqueue_dma source(%arg8 : memref<16384xf32, #tpu.memory_space<vmem>>) target(%dma_start3A_184 : memref<16384xf32, #tpu.memory_space<hbm>>) target_semaphore(%arg14 : memref<!tpu.dma_semaphore, #tpu.memory_space<semaphore_mem>>)
      %add3A_185 = arith.constant 1 : i32
      %add3A_186 = arith.addi %add3A_42, %add3A_185 : i32
      %lt3A_187 = arith.constant 16 : i32
      %lt3A_188 = arith.cmpi slt, %add3A_186, %lt3A_187 : i32
      %convert_element_type3A_189 = arith.extui %lt3A_188 : i1 to i32
      %cond3A_190 = arith.constant 0 : i32
      %cond3A_191 = arith.cmpi ne, %convert_element_type3A_189, %cond3A_190 : i32
      scf.if %cond3A_191 {
        %add3A_367 = arith.constant 8388608 : i32
        %add3A_368 = arith.addi %add3A_367, %mul3A_2 : i32
        %mul3A_369 = arith.constant 16384 : i32
        %mul3A_370 = arith.muli %add3A_186, %mul3A_369 : i32
        %add3A_371 = arith.addi %add3A_368, %mul3A_370 : i32
        %dma_start3A_372 = tpu.memref_slice %arg2[%add3A_371] : memref<33554432xf32, #tpu.memory_space<hbm>> -> memref<16384xf32, #tpu.memory_space<hbm>>
        %dma_start3A_373 = tpu.memref_slice %arg2[%add3A_371] : memref<33554432xf32, #tpu.memory_space<hbm>> -> memref<16384xf32, #tpu.memory_space<hbm>>
        tpu.enqueue_dma source(%dma_start3A_373 : memref<16384xf32, #tpu.memory_space<hbm>>) target(%arg6 : memref<16384xf32, #tpu.memory_space<vmem>>) target_semaphore(%arg12 : memref<!tpu.dma_semaphore, #tpu.memory_space<semaphore_mem>>)
      } else {
      }
      %add3A_192 = arith.constant 2 : i32
      %add3A_193 = arith.addi %add3A_42, %add3A_192 : i32
      %lt3A_194 = arith.constant 16 : i32
      %lt3A_195 = arith.cmpi slt, %add3A_193, %lt3A_194 : i32
      %convert_element_type3A_196 = arith.extui %lt3A_195 : i1 to i32
      %cond3A_197 = arith.constant 0 : i32
      %cond3A_198 = arith.cmpi ne, %convert_element_type3A_196, %cond3A_197 : i32
      scf.if %cond3A_198 {
        %mul3A_367 = arith.constant 16384 : i32
        %mul3A_368 = arith.muli %add3A_193, %mul3A_367 : i32
        %add3A_369 = arith.addi %mul3A_2, %mul3A_368 : i32
        %dma_start3A_370 = tpu.memref_slice %arg3[%add3A_369] : memref<8388608xf32, #tpu.memory_space<hbm>> -> memref<16384xf32, #tpu.memory_space<hbm>>
        %dma_start3A_371 = tpu.memref_slice %arg3[%add3A_369] : memref<8388608xf32, #tpu.memory_space<hbm>> -> memref<16384xf32, #tpu.memory_space<hbm>>
        tpu.enqueue_dma source(%dma_start3A_371 : memref<16384xf32, #tpu.memory_space<hbm>>) target(%arg9 : memref<16384xf32, #tpu.memory_space<vmem>>) target_semaphore(%arg15 : memref<!tpu.dma_semaphore, #tpu.memory_space<semaphore_mem>>)
      } else {
      }
      %mul3A_199 = arith.constant 2 : i32
      %mul3A_200 = arith.muli %scan3A_38, %mul3A_199 : i32
      %add3A_201 = arith.constant 1 : i32
      %add3A_202 = arith.addi %mul3A_200, %add3A_201 : i32
      %mul3A_203 = arith.constant 4 : i32
      %mul3A_204 = arith.muli %add3A_202, %mul3A_203 : i32
      %add3A_205 = arith.constant 0 : i32
      %add3A_206 = arith.addi %mul3A_204, %add3A_205 : i32
      %add3A_207 = arith.constant 0 : i32
      %add3A_208 = arith.addi %add3A_207, %mul3A_2 : i32
      %mul3A_209 = arith.constant 16384 : i32
      %mul3A_210 = arith.muli %add3A_202, %mul3A_209 : i32
      %add3A_211 = arith.addi %add3A_208, %mul3A_210 : i32
      %dma_wait3A_212 = tpu.memref_slice %arg2[%add3A_211] : memref<33554432xf32, #tpu.memory_space<hbm>> -> memref<16384xf32, #tpu.memory_space<hbm>>
      %dma_wait3A_213 = tpu.memref_slice %arg2[%add3A_211] : memref<33554432xf32, #tpu.memory_space<hbm>> -> memref<16384xf32, #tpu.memory_space<hbm>>
      tpu.wait_dma2 semaphore(%arg11 : memref<!tpu.dma_semaphore, #tpu.memory_space<semaphore_mem>>) src(%dma_wait3A_213 : memref<16384xf32, #tpu.memory_space<hbm>>) dst(%arg5 : memref<16384xf32, #tpu.memory_space<vmem>>)
      %mul3A_214 = arith.constant 16384 : i32
      %mul3A_215 = arith.muli %add3A_202, %mul3A_214 : i32
      %add3A_216 = arith.addi %mul3A_2, %mul3A_215 : i32
      %dma_wait3A_217 = tpu.memref_slice %arg3[%add3A_216] : memref<8388608xf32, #tpu.memory_space<hbm>> -> memref<16384xf32, #tpu.memory_space<hbm>>
      %dma_wait3A_218 = tpu.memref_slice %arg3[%add3A_216] : memref<8388608xf32, #tpu.memory_space<hbm>> -> memref<16384xf32, #tpu.memory_space<hbm>>
      tpu.wait_dma2 semaphore(%arg16 : memref<!tpu.dma_semaphore, #tpu.memory_space<semaphore_mem>>) src(%dma_wait3A_218 : memref<16384xf32, #tpu.memory_space<hbm>>) dst(%arg10 : memref<16384xf32, #tpu.memory_space<vmem>>)
      %add3A_219 = arith.constant 0 : i32
      %add3A_220 = arith.addi %add3A_219, %mul3A_2 : i32
      %mul3A_221 = arith.constant 16384 : i32
      %mul3A_222 = arith.muli %add3A_202, %mul3A_221 : i32
      %add3A_223 = arith.addi %add3A_220, %mul3A_222 : i32
      %dma_wait3A_224 = tpu.memref_slice %arg4[%add3A_223] : memref<33554432xf32, #tpu.memory_space<hbm>> -> memref<16384xf32, #tpu.memory_space<hbm>>
      %dma_wait3A_225 = tpu.memref_slice %arg4[%add3A_223] : memref<33554432xf32, #tpu.memory_space<hbm>> -> memref<16384xf32, #tpu.memory_space<hbm>>
      tpu.wait_dma2 semaphore(%arg13 : memref<!tpu.dma_semaphore, #tpu.memory_space<semaphore_mem>>) src(%arg7 : memref<16384xf32, #tpu.memory_space<vmem>>) dst(%dma_wait3A_225 : memref<16384xf32, #tpu.memory_space<hbm>>)
      %scan3A_226 = arith.constant 0 : i32
      %scan3A_227 = arith.constant 0 : i32
      %scan3A_228 = arith.constant 256 : i32
      %scan3A_229 = arith.addi %scan3A_227, %scan3A_228 : i32
      %scan3A_230 = arith.constant 1 : i32
      scf.for %scan3A_367 = %scan3A_227 to %scan3A_229 step %scan3A_230  : i32 {
        %mul3A_368 = arith.constant 64 : i32
        %mul3A_369 = arith.muli %scan3A_367, %mul3A_368 : i32
        %add3A_370 = arith.constant 0 : i32
        %add3A_371 = arith.addi %mul3A_369, %add3A_370 : i32
        %get3A = arith.index_cast %add3A_371 : i32 to index
        %get3A_372 = tpu.vector_load %arg5[%get3A] {strides = array<i32>} : memref<16384xf32, #tpu.memory_space<vmem>>, vector<16xf32>,
        %get3A_373 = vector.shape_cast %get3A_372 : vector<16xf32> to vector<16xf32>
        %get3A_374 = arith.index_cast %add3A_371 : i32 to index
        %get3A_375 = tpu.vector_load %arg10[%get3A_374] {strides = array<i32>} : memref<16384xf32, #tpu.memory_space<vmem>>, vector<16xf32>,
        %get3A_376 = vector.shape_cast %get3A_375 : vector<16xf32> to vector<16xf32>
        %add3A_377 = arith.addf %get3A_373, %get3A_376 : vector<16xf32>
        %swap3A = arith.index_cast %add3A_371 : i32 to index
        %swap3A_378 = tpu.vector_load %arg7[%swap3A] {strides = array<i32>} : memref<16384xf32, #tpu.memory_space<vmem>>, vector<16xf32>,
        %swap3A_379 = vector.shape_cast %swap3A_378 : vector<16xf32> to vector<16xf32>
        %swap3A_380 = vector.shape_cast %add3A_377 : vector<16xf32> to vector<16xf32>
        tpu.vector_store %arg7[%swap3A], %swap3A_380 {strides = array<i32>} : memref<16384xf32, #tpu.memory_space<vmem>>, vector<16xf32>,
        %mul3A_381 = arith.constant 64 : i32
        %mul3A_382 = arith.muli %scan3A_367, %mul3A_381 : i32
        %add3A_383 = arith.constant 16 : i32
        %add3A_384 = arith.addi %mul3A_382, %add3A_383 : i32
        %get3A_385 = arith.index_cast %add3A_384 : i32 to index
        %get3A_386 = tpu.vector_load %arg5[%get3A_385] {strides = array<i32>} : memref<16384xf32, #tpu.memory_space<vmem>>, vector<16xf32>,
        %get3A_387 = vector.shape_cast %get3A_386 : vector<16xf32> to vector<16xf32>
        %get3A_388 = arith.index_cast %add3A_384 : i32 to index
        %get3A_389 = tpu.vector_load %arg10[%get3A_388] {strides = array<i32>} : memref<16384xf32, #tpu.memory_space<vmem>>, vector<16xf32>,
        %get3A_390 = vector.shape_cast %get3A_389 : vector<16xf32> to vector<16xf32>
        %add3A_391 = arith.addf %get3A_387, %get3A_390 : vector<16xf32>
        %swap3A_392 = arith.index_cast %add3A_384 : i32 to index
        %swap3A_393 = tpu.vector_load %arg7[%swap3A_392] {strides = array<i32>} : memref<16384xf32, #tpu.memory_space<vmem>>, vector<16xf32>,
        %swap3A_394 = vector.shape_cast %swap3A_393 : vector<16xf32> to vector<16xf32>
        %swap3A_395 = vector.shape_cast %add3A_391 : vector<16xf32> to vector<16xf32>
        tpu.vector_store %arg7[%swap3A_392], %swap3A_395 {strides = array<i32>} : memref<16384xf32, #tpu.memory_space<vmem>>, vector<16xf32>,
        %mul3A_396 = arith.constant 64 : i32
        %mul3A_397 = arith.muli %scan3A_367, %mul3A_396 : i32
        %add3A_398 = arith.constant 32 : i32
        %add3A_399 = arith.addi %mul3A_397, %add3A_398 : i32
        %get3A_400 = arith.index_cast %add3A_399 : i32 to index
        %get3A_401 = tpu.vector_load %arg5[%get3A_400] {strides = array<i32>} : memref<16384xf32, #tpu.memory_space<vmem>>, vector<16xf32>,
        %get3A_402 = vector.shape_cast %get3A_401 : vector<16xf32> to vector<16xf32>
        %get3A_403 = arith.index_cast %add3A_399 : i32 to index
        %get3A_404 = tpu.vector_load %arg10[%get3A_403] {strides = array<i32>} : memref<16384xf32, #tpu.memory_space<vmem>>, vector<16xf32>,
        %get3A_405 = vector.shape_cast %get3A_404 : vector<16xf32> to vector<16xf32>
        %add3A_406 = arith.addf %get3A_402, %get3A_405 : vector<16xf32>
        %swap3A_407 = arith.index_cast %add3A_399 : i32 to index
        %swap3A_408 = tpu.vector_load %arg7[%swap3A_407] {strides = array<i32>} : memref<16384xf32, #tpu.memory_space<vmem>>, vector<16xf32>,
        %swap3A_409 = vector.shape_cast %swap3A_408 : vector<16xf32> to vector<16xf32>
        %swap3A_410 = vector.shape_cast %add3A_406 : vector<16xf32> to vector<16xf32>
        tpu.vector_store %arg7[%swap3A_407], %swap3A_410 {strides = array<i32>} : memref<16384xf32, #tpu.memory_space<vmem>>, vector<16xf32>,
        %mul3A_411 = arith.constant 64 : i32
        %mul3A_412 = arith.muli %scan3A_367, %mul3A_411 : i32
        %add3A_413 = arith.constant 48 : i32
        %add3A_414 = arith.addi %mul3A_412, %add3A_413 : i32
        %get3A_415 = arith.index_cast %add3A_414 : i32 to index
        %get3A_416 = tpu.vector_load %arg5[%get3A_415] {strides = array<i32>} : memref<16384xf32, #tpu.memory_space<vmem>>, vector<16xf32>,
        %get3A_417 = vector.shape_cast %get3A_416 : vector<16xf32> to vector<16xf32>
        %get3A_418 = arith.index_cast %add3A_414 : i32 to index
        %get3A_419 = tpu.vector_load %arg10[%get3A_418] {strides = array<i32>} : memref<16384xf32, #tpu.memory_space<vmem>>, vector<16xf32>,
        %get3A_420 = vector.shape_cast %get3A_419 : vector<16xf32> to vector<16xf32>
        %add3A_421 = arith.addf %get3A_417, %get3A_420 : vector<16xf32>
        %swap3A_422 = arith.index_cast %add3A_414 : i32 to index
        %swap3A_423 = tpu.vector_load %arg7[%swap3A_422] {strides = array<i32>} : memref<16384xf32, #tpu.memory_space<vmem>>, vector<16xf32>,
        %swap3A_424 = vector.shape_cast %swap3A_423 : vector<16xf32> to vector<16xf32>
        %swap3A_425 = vector.shape_cast %add3A_421 : vector<16xf32> to vector<16xf32>
        tpu.vector_store %arg7[%swap3A_422], %swap3A_425 {strides = array<i32>} : memref<16384xf32, #tpu.memory_space<vmem>>, vector<16xf32>,
      }
      %scan3A_231 = arith.constant 256 : i32
      %add3A_232 = arith.constant 0 : i32
      %add3A_233 = arith.addi %add3A_232, %mul3A_2 : i32
      %mul3A_234 = arith.constant 16384 : i32
      %mul3A_235 = arith.muli %add3A_202, %mul3A_234 : i32
      %add3A_236 = arith.addi %add3A_233, %mul3A_235 : i32
      %dma_start3A_237 = tpu.memref_slice %arg4[%add3A_236] : memref<33554432xf32, #tpu.memory_space<hbm>> -> memref<16384xf32, #tpu.memory_space<hbm>>
      %dma_start3A_238 = tpu.memref_slice %arg4[%add3A_236] : memref<33554432xf32, #tpu.memory_space<hbm>> -> memref<16384xf32, #tpu.memory_space<hbm>>
      tpu.enqueue_dma source(%arg7 : memref<16384xf32, #tpu.memory_space<vmem>>) target(%dma_start3A_238 : memref<16384xf32, #tpu.memory_space<hbm>>) target_semaphore(%arg13 : memref<!tpu.dma_semaphore, #tpu.memory_space<semaphore_mem>>)
      %add3A_239 = arith.constant 0 : i32
      %add3A_240 = arith.addi %add3A_202, %add3A_239 : i32
      %lt3A_241 = arith.constant 16 : i32
      %lt3A_242 = arith.cmpi slt, %add3A_240, %lt3A_241 : i32
      %convert_element_type3A_243 = arith.extui %lt3A_242 : i1 to i32
      %cond3A_244 = arith.constant 0 : i32
      %cond3A_245 = arith.cmpi ne, %convert_element_type3A_243, %cond3A_244 : i32
      scf.if %cond3A_245 {
        %add3A_367 = arith.constant 16777216 : i32
        %add3A_368 = arith.addi %add3A_367, %mul3A_2 : i32
        %mul3A_369 = arith.constant 16384 : i32
        %mul3A_370 = arith.muli %add3A_240, %mul3A_369 : i32
        %add3A_371 = arith.addi %add3A_368, %mul3A_370 : i32
        %dma_start3A_372 = tpu.memref_slice %arg2[%add3A_371] : memref<33554432xf32, #tpu.memory_space<hbm>> -> memref<16384xf32, #tpu.memory_space<hbm>>
        %dma_start3A_373 = tpu.memref_slice %arg2[%add3A_371] : memref<33554432xf32, #tpu.memory_space<hbm>> -> memref<16384xf32, #tpu.memory_space<hbm>>
        tpu.enqueue_dma source(%dma_start3A_373 : memref<16384xf32, #tpu.memory_space<hbm>>) target(%arg5 : memref<16384xf32, #tpu.memory_space<vmem>>) target_semaphore(%arg11 : memref<!tpu.dma_semaphore, #tpu.memory_space<semaphore_mem>>)
      } else {
      }
      %mul3A_246 = arith.constant 4 : i32
      %mul3A_247 = arith.muli %add3A_202, %mul3A_246 : i32
      %add3A_248 = arith.constant 1 : i32
      %add3A_249 = arith.addi %mul3A_247, %add3A_248 : i32
      %add3A_250 = arith.constant 8388608 : i32
      %add3A_251 = arith.addi %add3A_250, %mul3A_2 : i32
      %mul3A_252 = arith.constant 16384 : i32
      %mul3A_253 = arith.muli %add3A_202, %mul3A_252 : i32
      %add3A_254 = arith.addi %add3A_251, %mul3A_253 : i32
      %dma_wait3A_255 = tpu.memref_slice %arg2[%add3A_254] : memref<33554432xf32, #tpu.memory_space<hbm>> -> memref<16384xf32, #tpu.memory_space<hbm>>
      %dma_wait3A_256 = tpu.memref_slice %arg2[%add3A_254] : memref<33554432xf32, #tpu.memory_space<hbm>> -> memref<16384xf32, #tpu.memory_space<hbm>>
      tpu.wait_dma2 semaphore(%arg12 : memref<!tpu.dma_semaphore, #tpu.memory_space<semaphore_mem>>) src(%dma_wait3A_256 : memref<16384xf32, #tpu.memory_space<hbm>>) dst(%arg6 : memref<16384xf32, #tpu.memory_space<vmem>>)
      %add3A_257 = arith.constant 8388608 : i32
      %add3A_258 = arith.addi %add3A_257, %mul3A_2 : i32
      %mul3A_259 = arith.constant 16384 : i32
      %mul3A_260 = arith.muli %add3A_202, %mul3A_259 : i32
      %add3A_261 = arith.addi %add3A_258, %mul3A_260 : i32
      %dma_wait3A_262 = tpu.memref_slice %arg4[%add3A_261] : memref<33554432xf32, #tpu.memory_space<hbm>> -> memref<16384xf32, #tpu.memory_space<hbm>>
      %dma_wait3A_263 = tpu.memref_slice %arg4[%add3A_261] : memref<33554432xf32, #tpu.memory_space<hbm>> -> memref<16384xf32, #tpu.memory_space<hbm>>
      tpu.wait_dma2 semaphore(%arg14 : memref<!tpu.dma_semaphore, #tpu.memory_space<semaphore_mem>>) src(%arg8 : memref<16384xf32, #tpu.memory_space<vmem>>) dst(%dma_wait3A_263 : memref<16384xf32, #tpu.memory_space<hbm>>)
      %scan3A_264 = arith.constant 0 : i32
      %scan3A_265 = arith.constant 0 : i32
      %scan3A_266 = arith.constant 256 : i32
      %scan3A_267 = arith.addi %scan3A_265, %scan3A_266 : i32
      %scan3A_268 = arith.constant 1 : i32
      scf.for %scan3A_367 = %scan3A_265 to %scan3A_267 step %scan3A_268  : i32 {
        %mul3A_368 = arith.constant 64 : i32
        %mul3A_369 = arith.muli %scan3A_367, %mul3A_368 : i32
        %add3A_370 = arith.constant 0 : i32
        %add3A_371 = arith.addi %mul3A_369, %add3A_370 : i32
        %get3A = arith.index_cast %add3A_371 : i32 to index
        %get3A_372 = tpu.vector_load %arg6[%get3A] {strides = array<i32>} : memref<16384xf32, #tpu.memory_space<vmem>>, vector<16xf32>,
        %get3A_373 = vector.shape_cast %get3A_372 : vector<16xf32> to vector<16xf32>
        %get3A_374 = arith.index_cast %add3A_371 : i32 to index
        %get3A_375 = tpu.vector_load %arg10[%get3A_374] {strides = array<i32>} : memref<16384xf32, #tpu.memory_space<vmem>>, vector<16xf32>,
        %get3A_376 = vector.shape_cast %get3A_375 : vector<16xf32> to vector<16xf32>
        %add3A_377 = arith.addf %get3A_373, %get3A_376 : vector<16xf32>
        %swap3A = arith.index_cast %add3A_371 : i32 to index
        %swap3A_378 = tpu.vector_load %arg8[%swap3A] {strides = array<i32>} : memref<16384xf32, #tpu.memory_space<vmem>>, vector<16xf32>,
        %swap3A_379 = vector.shape_cast %swap3A_378 : vector<16xf32> to vector<16xf32>
        %swap3A_380 = vector.shape_cast %add3A_377 : vector<16xf32> to vector<16xf32>
        tpu.vector_store %arg8[%swap3A], %swap3A_380 {strides = array<i32>} : memref<16384xf32, #tpu.memory_space<vmem>>, vector<16xf32>,
        %mul3A_381 = arith.constant 64 : i32
        %mul3A_382 = arith.muli %scan3A_367, %mul3A_381 : i32
        %add3A_383 = arith.constant 16 : i32
        %add3A_384 = arith.addi %mul3A_382, %add3A_383 : i32
        %get3A_385 = arith.index_cast %add3A_384 : i32 to index
        %get3A_386 = tpu.vector_load %arg6[%get3A_385] {strides = array<i32>} : memref<16384xf32, #tpu.memory_space<vmem>>, vector<16xf32>,
        %get3A_387 = vector.shape_cast %get3A_386 : vector<16xf32> to vector<16xf32>
        %get3A_388 = arith.index_cast %add3A_384 : i32 to index
        %get3A_389 = tpu.vector_load %arg10[%get3A_388] {strides = array<i32>} : memref<16384xf32, #tpu.memory_space<vmem>>, vector<16xf32>,
        %get3A_390 = vector.shape_cast %get3A_389 : vector<16xf32> to vector<16xf32>
        %add3A_391 = arith.addf %get3A_387, %get3A_390 : vector<16xf32>
        %swap3A_392 = arith.index_cast %add3A_384 : i32 to index
        %swap3A_393 = tpu.vector_load %arg8[%swap3A_392] {strides = array<i32>} : memref<16384xf32, #tpu.memory_space<vmem>>, vector<16xf32>,
        %swap3A_394 = vector.shape_cast %swap3A_393 : vector<16xf32> to vector<16xf32>
        %swap3A_395 = vector.shape_cast %add3A_391 : vector<16xf32> to vector<16xf32>
        tpu.vector_store %arg8[%swap3A_392], %swap3A_395 {strides = array<i32>} : memref<16384xf32, #tpu.memory_space<vmem>>, vector<16xf32>,
        %mul3A_396 = arith.constant 64 : i32
        %mul3A_397 = arith.muli %scan3A_367, %mul3A_396 : i32
        %add3A_398 = arith.constant 32 : i32
        %add3A_399 = arith.addi %mul3A_397, %add3A_398 : i32
        %get3A_400 = arith.index_cast %add3A_399 : i32 to index
        %get3A_401 = tpu.vector_load %arg6[%get3A_400] {strides = array<i32>} : memref<16384xf32, #tpu.memory_space<vmem>>, vector<16xf32>,
        %get3A_402 = vector.shape_cast %get3A_401 : vector<16xf32> to vector<16xf32>
        %get3A_403 = arith.index_cast %add3A_399 : i32 to index
        %get3A_404 = tpu.vector_load %arg10[%get3A_403] {strides = array<i32>} : memref<16384xf32, #tpu.memory_space<vmem>>, vector<16xf32>,
        %get3A_405 = vector.shape_cast %get3A_404 : vector<16xf32> to vector<16xf32>
        %add3A_406 = arith.addf %get3A_402, %get3A_405 : vector<16xf32>
        %swap3A_407 = arith.index_cast %add3A_399 : i32 to index
        %swap3A_408 = tpu.vector_load %arg8[%swap3A_407] {strides = array<i32>} : memref<16384xf32, #tpu.memory_space<vmem>>, vector<16xf32>,
        %swap3A_409 = vector.shape_cast %swap3A_408 : vector<16xf32> to vector<16xf32>
        %swap3A_410 = vector.shape_cast %add3A_406 : vector<16xf32> to vector<16xf32>
        tpu.vector_store %arg8[%swap3A_407], %swap3A_410 {strides = array<i32>} : memref<16384xf32, #tpu.memory_space<vmem>>, vector<16xf32>,
        %mul3A_411 = arith.constant 64 : i32
        %mul3A_412 = arith.muli %scan3A_367, %mul3A_411 : i32
        %add3A_413 = arith.constant 48 : i32
        %add3A_414 = arith.addi %mul3A_412, %add3A_413 : i32
        %get3A_415 = arith.index_cast %add3A_414 : i32 to index
        %get3A_416 = tpu.vector_load %arg6[%get3A_415] {strides = array<i32>} : memref<16384xf32, #tpu.memory_space<vmem>>, vector<16xf32>,
        %get3A_417 = vector.shape_cast %get3A_416 : vector<16xf32> to vector<16xf32>
        %get3A_418 = arith.index_cast %add3A_414 : i32 to index
        %get3A_419 = tpu.vector_load %arg10[%get3A_418] {strides = array<i32>} : memref<16384xf32, #tpu.memory_space<vmem>>, vector<16xf32>,
        %get3A_420 = vector.shape_cast %get3A_419 : vector<16xf32> to vector<16xf32>
        %add3A_421 = arith.addf %get3A_417, %get3A_420 : vector<16xf32>
        %swap3A_422 = arith.index_cast %add3A_414 : i32 to index
        %swap3A_423 = tpu.vector_load %arg8[%swap3A_422] {strides = array<i32>} : memref<16384xf32, #tpu.memory_space<vmem>>, vector<16xf32>,
        %swap3A_424 = vector.shape_cast %swap3A_423 : vector<16xf32> to vector<16xf32>
        %swap3A_425 = vector.shape_cast %add3A_421 : vector<16xf32> to vector<16xf32>
        tpu.vector_store %arg8[%swap3A_422], %swap3A_425 {strides = array<i32>} : memref<16384xf32, #tpu.memory_space<vmem>>, vector<16xf32>,
      }
      %scan3A_269 = arith.constant 256 : i32
      %add3A_270 = arith.constant 8388608 : i32
      %add3A_271 = arith.addi %add3A_270, %mul3A_2 : i32
      %mul3A_272 = arith.constant 16384 : i32
      %mul3A_273 = arith.muli %add3A_202, %mul3A_272 : i32
      %add3A_274 = arith.addi %add3A_271, %mul3A_273 : i32
      %dma_start3A_275 = tpu.memref_slice %arg4[%add3A_274] : memref<33554432xf32, #tpu.memory_space<hbm>> -> memref<16384xf32, #tpu.memory_space<hbm>>
      %dma_start3A_276 = tpu.memref_slice %arg4[%add3A_274] : memref<33554432xf32, #tpu.memory_space<hbm>> -> memref<16384xf32, #tpu.memory_space<hbm>>
      tpu.enqueue_dma source(%arg8 : memref<16384xf32, #tpu.memory_space<vmem>>) target(%dma_start3A_276 : memref<16384xf32, #tpu.memory_space<hbm>>) target_semaphore(%arg14 : memref<!tpu.dma_semaphore, #tpu.memory_space<semaphore_mem>>)
      %add3A_277 = arith.constant 0 : i32
      %add3A_278 = arith.addi %add3A_202, %add3A_277 : i32
      %lt3A_279 = arith.constant 16 : i32
      %lt3A_280 = arith.cmpi slt, %add3A_278, %lt3A_279 : i32
      %convert_element_type3A_281 = arith.extui %lt3A_280 : i1 to i32
      %cond3A_282 = arith.constant 0 : i32
      %cond3A_283 = arith.cmpi ne, %convert_element_type3A_281, %cond3A_282 : i32
      scf.if %cond3A_283 {
        %add3A_367 = arith.constant 25165824 : i32
        %add3A_368 = arith.addi %add3A_367, %mul3A_2 : i32
        %mul3A_369 = arith.constant 16384 : i32
        %mul3A_370 = arith.muli %add3A_278, %mul3A_369 : i32
        %add3A_371 = arith.addi %add3A_368, %mul3A_370 : i32
        %dma_start3A_372 = tpu.memref_slice %arg2[%add3A_371] : memref<33554432xf32, #tpu.memory_space<hbm>> -> memref<16384xf32, #tpu.memory_space<hbm>>
        %dma_start3A_373 = tpu.memref_slice %arg2[%add3A_371] : memref<33554432xf32, #tpu.memory_space<hbm>> -> memref<16384xf32, #tpu.memory_space<hbm>>
        tpu.enqueue_dma source(%dma_start3A_373 : memref<16384xf32, #tpu.memory_space<hbm>>) target(%arg6 : memref<16384xf32, #tpu.memory_space<vmem>>) target_semaphore(%arg12 : memref<!tpu.dma_semaphore, #tpu.memory_space<semaphore_mem>>)
      } else {
      }
      %mul3A_284 = arith.constant 4 : i32
      %mul3A_285 = arith.muli %add3A_202, %mul3A_284 : i32
      %add3A_286 = arith.constant 2 : i32
      %add3A_287 = arith.addi %mul3A_285, %add3A_286 : i32
      %add3A_288 = arith.constant 16777216 : i32
      %add3A_289 = arith.addi %add3A_288, %mul3A_2 : i32
      %mul3A_290 = arith.constant 16384 : i32
      %mul3A_291 = arith.muli %add3A_202, %mul3A_290 : i32
      %add3A_292 = arith.addi %add3A_289, %mul3A_291 : i32
      %dma_wait3A_293 = tpu.memref_slice %arg2[%add3A_292] : memref<33554432xf32, #tpu.memory_space<hbm>> -> memref<16384xf32, #tpu.memory_space<hbm>>
      %dma_wait3A_294 = tpu.memref_slice %arg2[%add3A_292] : memref<33554432xf32, #tpu.memory_space<hbm>> -> memref<16384xf32, #tpu.memory_space<hbm>>
      tpu.wait_dma2 semaphore(%arg11 : memref<!tpu.dma_semaphore, #tpu.memory_space<semaphore_mem>>) src(%dma_wait3A_294 : memref<16384xf32, #tpu.memory_space<hbm>>) dst(%arg5 : memref<16384xf32, #tpu.memory_space<vmem>>)
      %add3A_295 = arith.constant 16777216 : i32
      %add3A_296 = arith.addi %add3A_295, %mul3A_2 : i32
      %mul3A_297 = arith.constant 16384 : i32
      %mul3A_298 = arith.muli %add3A_202, %mul3A_297 : i32
      %add3A_299 = arith.addi %add3A_296, %mul3A_298 : i32
      %dma_wait3A_300 = tpu.memref_slice %arg4[%add3A_299] : memref<33554432xf32, #tpu.memory_space<hbm>> -> memref<16384xf32, #tpu.memory_space<hbm>>
      %dma_wait3A_301 = tpu.memref_slice %arg4[%add3A_299] : memref<33554432xf32, #tpu.memory_space<hbm>> -> memref<16384xf32, #tpu.memory_space<hbm>>
      tpu.wait_dma2 semaphore(%arg13 : memref<!tpu.dma_semaphore, #tpu.memory_space<semaphore_mem>>) src(%arg7 : memref<16384xf32, #tpu.memory_space<vmem>>) dst(%dma_wait3A_301 : memref<16384xf32, #tpu.memory_space<hbm>>)
      %scan3A_302 = arith.constant 0 : i32
      %scan3A_303 = arith.constant 0 : i32
      %scan3A_304 = arith.constant 256 : i32
      %scan3A_305 = arith.addi %scan3A_303, %scan3A_304 : i32
      %scan3A_306 = arith.constant 1 : i32
      scf.for %scan3A_367 = %scan3A_303 to %scan3A_305 step %scan3A_306  : i32 {
        %mul3A_368 = arith.constant 64 : i32
        %mul3A_369 = arith.muli %scan3A_367, %mul3A_368 : i32
        %add3A_370 = arith.constant 0 : i32
        %add3A_371 = arith.addi %mul3A_369, %add3A_370 : i32
        %get3A = arith.index_cast %add3A_371 : i32 to index
        %get3A_372 = tpu.vector_load %arg5[%get3A] {strides = array<i32>} : memref<16384xf32, #tpu.memory_space<vmem>>, vector<16xf32>,
        %get3A_373 = vector.shape_cast %get3A_372 : vector<16xf32> to vector<16xf32>
        %get3A_374 = arith.index_cast %add3A_371 : i32 to index
        %get3A_375 = tpu.vector_load %arg10[%get3A_374] {strides = array<i32>} : memref<16384xf32, #tpu.memory_space<vmem>>, vector<16xf32>,
        %get3A_376 = vector.shape_cast %get3A_375 : vector<16xf32> to vector<16xf32>
        %add3A_377 = arith.addf %get3A_373, %get3A_376 : vector<16xf32>
        %swap3A = arith.index_cast %add3A_371 : i32 to index
        %swap3A_378 = tpu.vector_load %arg7[%swap3A] {strides = array<i32>} : memref<16384xf32, #tpu.memory_space<vmem>>, vector<16xf32>,
        %swap3A_379 = vector.shape_cast %swap3A_378 : vector<16xf32> to vector<16xf32>
        %swap3A_380 = vector.shape_cast %add3A_377 : vector<16xf32> to vector<16xf32>
        tpu.vector_store %arg7[%swap3A], %swap3A_380 {strides = array<i32>} : memref<16384xf32, #tpu.memory_space<vmem>>, vector<16xf32>,
        %mul3A_381 = arith.constant 64 : i32
        %mul3A_382 = arith.muli %scan3A_367, %mul3A_381 : i32
        %add3A_383 = arith.constant 16 : i32
        %add3A_384 = arith.addi %mul3A_382, %add3A_383 : i32
        %get3A_385 = arith.index_cast %add3A_384 : i32 to index
        %get3A_386 = tpu.vector_load %arg5[%get3A_385] {strides = array<i32>} : memref<16384xf32, #tpu.memory_space<vmem>>, vector<16xf32>,
        %get3A_387 = vector.shape_cast %get3A_386 : vector<16xf32> to vector<16xf32>
        %get3A_388 = arith.index_cast %add3A_384 : i32 to index
        %get3A_389 = tpu.vector_load %arg10[%get3A_388] {strides = array<i32>} : memref<16384xf32, #tpu.memory_space<vmem>>, vector<16xf32>,
        %get3A_390 = vector.shape_cast %get3A_389 : vector<16xf32> to vector<16xf32>
        %add3A_391 = arith.addf %get3A_387, %get3A_390 : vector<16xf32>
        %swap3A_392 = arith.index_cast %add3A_384 : i32 to index
        %swap3A_393 = tpu.vector_load %arg7[%swap3A_392] {strides = array<i32>} : memref<16384xf32, #tpu.memory_space<vmem>>, vector<16xf32>,
        %swap3A_394 = vector.shape_cast %swap3A_393 : vector<16xf32> to vector<16xf32>
        %swap3A_395 = vector.shape_cast %add3A_391 : vector<16xf32> to vector<16xf32>
        tpu.vector_store %arg7[%swap3A_392], %swap3A_395 {strides = array<i32>} : memref<16384xf32, #tpu.memory_space<vmem>>, vector<16xf32>,
        %mul3A_396 = arith.constant 64 : i32
        %mul3A_397 = arith.muli %scan3A_367, %mul3A_396 : i32
        %add3A_398 = arith.constant 32 : i32
        %add3A_399 = arith.addi %mul3A_397, %add3A_398 : i32
        %get3A_400 = arith.index_cast %add3A_399 : i32 to index
        %get3A_401 = tpu.vector_load %arg5[%get3A_400] {strides = array<i32>} : memref<16384xf32, #tpu.memory_space<vmem>>, vector<16xf32>,
        %get3A_402 = vector.shape_cast %get3A_401 : vector<16xf32> to vector<16xf32>
        %get3A_403 = arith.index_cast %add3A_399 : i32 to index
        %get3A_404 = tpu.vector_load %arg10[%get3A_403] {strides = array<i32>} : memref<16384xf32, #tpu.memory_space<vmem>>, vector<16xf32>,
        %get3A_405 = vector.shape_cast %get3A_404 : vector<16xf32> to vector<16xf32>
        %add3A_406 = arith.addf %get3A_402, %get3A_405 : vector<16xf32>
        %swap3A_407 = arith.index_cast %add3A_399 : i32 to index
        %swap3A_408 = tpu.vector_load %arg7[%swap3A_407] {strides = array<i32>} : memref<16384xf32, #tpu.memory_space<vmem>>, vector<16xf32>,
        %swap3A_409 = vector.shape_cast %swap3A_408 : vector<16xf32> to vector<16xf32>
        %swap3A_410 = vector.shape_cast %add3A_406 : vector<16xf32> to vector<16xf32>
        tpu.vector_store %arg7[%swap3A_407], %swap3A_410 {strides = array<i32>} : memref<16384xf32, #tpu.memory_space<vmem>>, vector<16xf32>,
        %mul3A_411 = arith.constant 64 : i32
        %mul3A_412 = arith.muli %scan3A_367, %mul3A_411 : i32
        %add3A_413 = arith.constant 48 : i32
        %add3A_414 = arith.addi %mul3A_412, %add3A_413 : i32
        %get3A_415 = arith.index_cast %add3A_414 : i32 to index
        %get3A_416 = tpu.vector_load %arg5[%get3A_415] {strides = array<i32>} : memref<16384xf32, #tpu.memory_space<vmem>>, vector<16xf32>,
        %get3A_417 = vector.shape_cast %get3A_416 : vector<16xf32> to vector<16xf32>
        %get3A_418 = arith.index_cast %add3A_414 : i32 to index
        %get3A_419 = tpu.vector_load %arg10[%get3A_418] {strides = array<i32>} : memref<16384xf32, #tpu.memory_space<vmem>>, vector<16xf32>,
        %get3A_420 = vector.shape_cast %get3A_419 : vector<16xf32> to vector<16xf32>
        %add3A_421 = arith.addf %get3A_417, %get3A_420 : vector<16xf32>
        %swap3A_422 = arith.index_cast %add3A_414 : i32 to index
        %swap3A_423 = tpu.vector_load %arg7[%swap3A_422] {strides = array<i32>} : memref<16384xf32, #tpu.memory_space<vmem>>, vector<16xf32>,
        %swap3A_424 = vector.shape_cast %swap3A_423 : vector<16xf32> to vector<16xf32>
        %swap3A_425 = vector.shape_cast %add3A_421 : vector<16xf32> to vector<16xf32>
        tpu.vector_store %arg7[%swap3A_422], %swap3A_425 {strides = array<i32>} : memref<16384xf32, #tpu.memory_space<vmem>>, vector<16xf32>,
      }
      %scan3A_307 = arith.constant 256 : i32
      %add3A_308 = arith.constant 16777216 : i32
      %add3A_309 = arith.addi %add3A_308, %mul3A_2 : i32
      %mul3A_310 = arith.constant 16384 : i32
      %mul3A_311 = arith.muli %add3A_202, %mul3A_310 : i32
      %add3A_312 = arith.addi %add3A_309, %mul3A_311 : i32
      %dma_start3A_313 = tpu.memref_slice %arg4[%add3A_312] : memref<33554432xf32, #tpu.memory_space<hbm>> -> memref<16384xf32, #tpu.memory_space<hbm>>
      %dma_start3A_314 = tpu.memref_slice %arg4[%add3A_312] : memref<33554432xf32, #tpu.memory_space<hbm>> -> memref<16384xf32, #tpu.memory_space<hbm>>
      tpu.enqueue_dma source(%arg7 : memref<16384xf32, #tpu.memory_space<vmem>>) target(%dma_start3A_314 : memref<16384xf32, #tpu.memory_space<hbm>>) target_semaphore(%arg13 : memref<!tpu.dma_semaphore, #tpu.memory_space<semaphore_mem>>)
      %add3A_315 = arith.constant 1 : i32
      %add3A_316 = arith.addi %add3A_202, %add3A_315 : i32
      %lt3A_317 = arith.constant 16 : i32
      %lt3A_318 = arith.cmpi slt, %add3A_316, %lt3A_317 : i32
      %convert_element_type3A_319 = arith.extui %lt3A_318 : i1 to i32
      %cond3A_320 = arith.constant 0 : i32
      %cond3A_321 = arith.cmpi ne, %convert_element_type3A_319, %cond3A_320 : i32
      scf.if %cond3A_321 {
        %add3A_367 = arith.constant 0 : i32
        %add3A_368 = arith.addi %add3A_367, %mul3A_2 : i32
        %mul3A_369 = arith.constant 16384 : i32
        %mul3A_370 = arith.muli %add3A_316, %mul3A_369 : i32
        %add3A_371 = arith.addi %add3A_368, %mul3A_370 : i32
        %dma_start3A_372 = tpu.memref_slice %arg2[%add3A_371] : memref<33554432xf32, #tpu.memory_space<hbm>> -> memref<16384xf32, #tpu.memory_space<hbm>>
        %dma_start3A_373 = tpu.memref_slice %arg2[%add3A_371] : memref<33554432xf32, #tpu.memory_space<hbm>> -> memref<16384xf32, #tpu.memory_space<hbm>>
        tpu.enqueue_dma source(%dma_start3A_373 : memref<16384xf32, #tpu.memory_space<hbm>>) target(%arg5 : memref<16384xf32, #tpu.memory_space<vmem>>) target_semaphore(%arg11 : memref<!tpu.dma_semaphore, #tpu.memory_space<semaphore_mem>>)
      } else {
      }
      %mul3A_322 = arith.constant 4 : i32
      %mul3A_323 = arith.muli %add3A_202, %mul3A_322 : i32
      %add3A_324 = arith.constant 3 : i32
      %add3A_325 = arith.addi %mul3A_323, %add3A_324 : i32
      %add3A_326 = arith.constant 25165824 : i32
      %add3A_327 = arith.addi %add3A_326, %mul3A_2 : i32
      %mul3A_328 = arith.constant 16384 : i32
      %mul3A_329 = arith.muli %add3A_202, %mul3A_328 : i32
      %add3A_330 = arith.addi %add3A_327, %mul3A_329 : i32
      %dma_wait3A_331 = tpu.memref_slice %arg2[%add3A_330] : memref<33554432xf32, #tpu.memory_space<hbm>> -> memref<16384xf32, #tpu.memory_space<hbm>>
      %dma_wait3A_332 = tpu.memref_slice %arg2[%add3A_330] : memref<33554432xf32, #tpu.memory_space<hbm>> -> memref<16384xf32, #tpu.memory_space<hbm>>
      tpu.wait_dma2 semaphore(%arg12 : memref<!tpu.dma_semaphore, #tpu.memory_space<semaphore_mem>>) src(%dma_wait3A_332 : memref<16384xf32, #tpu.memory_space<hbm>>) dst(%arg6 : memref<16384xf32, #tpu.memory_space<vmem>>)
      %add3A_333 = arith.constant 25165824 : i32
      %add3A_334 = arith.addi %add3A_333, %mul3A_2 : i32
      %mul3A_335 = arith.constant 16384 : i32
      %mul3A_336 = arith.muli %add3A_202, %mul3A_335 : i32
      %add3A_337 = arith.addi %add3A_334, %mul3A_336 : i32
      %dma_wait3A_338 = tpu.memref_slice %arg4[%add3A_337] : memref<33554432xf32, #tpu.memory_space<hbm>> -> memref<16384xf32, #tpu.memory_space<hbm>>
      %dma_wait3A_339 = tpu.memref_slice %arg4[%add3A_337] : memref<33554432xf32, #tpu.memory_space<hbm>> -> memref<16384xf32, #tpu.memory_space<hbm>>
      tpu.wait_dma2 semaphore(%arg14 : memref<!tpu.dma_semaphore, #tpu.memory_space<semaphore_mem>>) src(%arg8 : memref<16384xf32, #tpu.memory_space<vmem>>) dst(%dma_wait3A_339 : memref<16384xf32, #tpu.memory_space<hbm>>)
      %scan3A_340 = arith.constant 0 : i32
      %scan3A_341 = arith.constant 0 : i32
      %scan3A_342 = arith.constant 256 : i32
      %scan3A_343 = arith.addi %scan3A_341, %scan3A_342 : i32
      %scan3A_344 = arith.constant 1 : i32
      scf.for %scan3A_367 = %scan3A_341 to %scan3A_343 step %scan3A_344  : i32 {
        %mul3A_368 = arith.constant 64 : i32
        %mul3A_369 = arith.muli %scan3A_367, %mul3A_368 : i32
        %add3A_370 = arith.constant 0 : i32
        %add3A_371 = arith.addi %mul3A_369, %add3A_370 : i32
        %get3A = arith.index_cast %add3A_371 : i32 to index
        %get3A_372 = tpu.vector_load %arg6[%get3A] {strides = array<i32>} : memref<16384xf32, #tpu.memory_space<vmem>>, vector<16xf32>,
        %get3A_373 = vector.shape_cast %get3A_372 : vector<16xf32> to vector<16xf32>
        %get3A_374 = arith.index_cast %add3A_371 : i32 to index
        %get3A_375 = tpu.vector_load %arg10[%get3A_374] {strides = array<i32>} : memref<16384xf32, #tpu.memory_space<vmem>>, vector<16xf32>,
        %get3A_376 = vector.shape_cast %get3A_375 : vector<16xf32> to vector<16xf32>
        %add3A_377 = arith.addf %get3A_373, %get3A_376 : vector<16xf32>
        %swap3A = arith.index_cast %add3A_371 : i32 to index
        %swap3A_378 = tpu.vector_load %arg8[%swap3A] {strides = array<i32>} : memref<16384xf32, #tpu.memory_space<vmem>>, vector<16xf32>,
        %swap3A_379 = vector.shape_cast %swap3A_378 : vector<16xf32> to vector<16xf32>
        %swap3A_380 = vector.shape_cast %add3A_377 : vector<16xf32> to vector<16xf32>
        tpu.vector_store %arg8[%swap3A], %swap3A_380 {strides = array<i32>} : memref<16384xf32, #tpu.memory_space<vmem>>, vector<16xf32>,
        %mul3A_381 = arith.constant 64 : i32
        %mul3A_382 = arith.muli %scan3A_367, %mul3A_381 : i32
        %add3A_383 = arith.constant 16 : i32
        %add3A_384 = arith.addi %mul3A_382, %add3A_383 : i32
        %get3A_385 = arith.index_cast %add3A_384 : i32 to index
        %get3A_386 = tpu.vector_load %arg6[%get3A_385] {strides = array<i32>} : memref<16384xf32, #tpu.memory_space<vmem>>, vector<16xf32>,
        %get3A_387 = vector.shape_cast %get3A_386 : vector<16xf32> to vector<16xf32>
        %get3A_388 = arith.index_cast %add3A_384 : i32 to index
        %get3A_389 = tpu.vector_load %arg10[%get3A_388] {strides = array<i32>} : memref<16384xf32, #tpu.memory_space<vmem>>, vector<16xf32>,
        %get3A_390 = vector.shape_cast %get3A_389 : vector<16xf32> to vector<16xf32>
        %add3A_391 = arith.addf %get3A_387, %get3A_390 : vector<16xf32>
        %swap3A_392 = arith.index_cast %add3A_384 : i32 to index
        %swap3A_393 = tpu.vector_load %arg8[%swap3A_392] {strides = array<i32>} : memref<16384xf32, #tpu.memory_space<vmem>>, vector<16xf32>,
        %swap3A_394 = vector.shape_cast %swap3A_393 : vector<16xf32> to vector<16xf32>
        %swap3A_395 = vector.shape_cast %add3A_391 : vector<16xf32> to vector<16xf32>
        tpu.vector_store %arg8[%swap3A_392], %swap3A_395 {strides = array<i32>} : memref<16384xf32, #tpu.memory_space<vmem>>, vector<16xf32>,
        %mul3A_396 = arith.constant 64 : i32
        %mul3A_397 = arith.muli %scan3A_367, %mul3A_396 : i32
        %add3A_398 = arith.constant 32 : i32
        %add3A_399 = arith.addi %mul3A_397, %add3A_398 : i32
        %get3A_400 = arith.index_cast %add3A_399 : i32 to index
        %get3A_401 = tpu.vector_load %arg6[%get3A_400] {strides = array<i32>} : memref<16384xf32, #tpu.memory_space<vmem>>, vector<16xf32>,
        %get3A_402 = vector.shape_cast %get3A_401 : vector<16xf32> to vector<16xf32>
        %get3A_403 = arith.index_cast %add3A_399 : i32 to index
        %get3A_404 = tpu.vector_load %arg10[%get3A_403] {strides = array<i32>} : memref<16384xf32, #tpu.memory_space<vmem>>, vector<16xf32>,
        %get3A_405 = vector.shape_cast %get3A_404 : vector<16xf32> to vector<16xf32>
        %add3A_406 = arith.addf %get3A_402, %get3A_405 : vector<16xf32>
        %swap3A_407 = arith.index_cast %add3A_399 : i32 to index
        %swap3A_408 = tpu.vector_load %arg8[%swap3A_407] {strides = array<i32>} : memref<16384xf32, #tpu.memory_space<vmem>>, vector<16xf32>,
        %swap3A_409 = vector.shape_cast %swap3A_408 : vector<16xf32> to vector<16xf32>
        %swap3A_410 = vector.shape_cast %add3A_406 : vector<16xf32> to vector<16xf32>
        tpu.vector_store %arg8[%swap3A_407], %swap3A_410 {strides = array<i32>} : memref<16384xf32, #tpu.memory_space<vmem>>, vector<16xf32>,
        %mul3A_411 = arith.constant 64 : i32
        %mul3A_412 = arith.muli %scan3A_367, %mul3A_411 : i32
        %add3A_413 = arith.constant 48 : i32
        %add3A_414 = arith.addi %mul3A_412, %add3A_413 : i32
        %get3A_415 = arith.index_cast %add3A_414 : i32 to index
        %get3A_416 = tpu.vector_load %arg6[%get3A_415] {strides = array<i32>} : memref<16384xf32, #tpu.memory_space<vmem>>, vector<16xf32>,
        %get3A_417 = vector.shape_cast %get3A_416 : vector<16xf32> to vector<16xf32>
        %get3A_418 = arith.index_cast %add3A_414 : i32 to index
        %get3A_419 = tpu.vector_load %arg10[%get3A_418] {strides = array<i32>} : memref<16384xf32, #tpu.memory_space<vmem>>, vector<16xf32>,
        %get3A_420 = vector.shape_cast %get3A_419 : vector<16xf32> to vector<16xf32>
        %add3A_421 = arith.addf %get3A_417, %get3A_420 : vector<16xf32>
        %swap3A_422 = arith.index_cast %add3A_414 : i32 to index
        %swap3A_423 = tpu.vector_load %arg8[%swap3A_422] {strides = array<i32>} : memref<16384xf32, #tpu.memory_space<vmem>>, vector<16xf32>,
        %swap3A_424 = vector.shape_cast %swap3A_423 : vector<16xf32> to vector<16xf32>
        %swap3A_425 = vector.shape_cast %add3A_421 : vector<16xf32> to vector<16xf32>
        tpu.vector_store %arg8[%swap3A_422], %swap3A_425 {strides = array<i32>} : memref<16384xf32, #tpu.memory_space<vmem>>, vector<16xf32>,
      }
      %scan3A_345 = arith.constant 256 : i32
      %add3A_346 = arith.constant 25165824 : i32
      %add3A_347 = arith.addi %add3A_346, %mul3A_2 : i32
      %mul3A_348 = arith.constant 16384 : i32
      %mul3A_349 = arith.muli %add3A_202, %mul3A_348 : i32
      %add3A_350 = arith.addi %add3A_347, %mul3A_349 : i32
      %dma_start3A_351 = tpu.memref_slice %arg4[%add3A_350] : memref<33554432xf32, #tpu.memory_space<hbm>> -> memref<16384xf32, #tpu.memory_space<hbm>>
      %dma_start3A_352 = tpu.memref_slice %arg4[%add3A_350] : memref<33554432xf32, #tpu.memory_space<hbm>> -> memref<16384xf32, #tpu.memory_space<hbm>>
      tpu.enqueue_dma source(%arg8 : memref<16384xf32, #tpu.memory_space<vmem>>) target(%dma_start3A_352 : memref<16384xf32, #tpu.memory_space<hbm>>) target_semaphore(%arg14 : memref<!tpu.dma_semaphore, #tpu.memory_space<semaphore_mem>>)
      %add3A_353 = arith.constant 1 : i32
      %add3A_354 = arith.addi %add3A_202, %add3A_353 : i32
      %lt3A_355 = arith.constant 16 : i32
      %lt3A_356 = arith.cmpi slt, %add3A_354, %lt3A_355 : i32
      %convert_element_type3A_357 = arith.extui %lt3A_356 : i1 to i32
      %cond3A_358 = arith.constant 0 : i32
      %cond3A_359 = arith.cmpi ne, %convert_element_type3A_357, %cond3A_358 : i32
      scf.if %cond3A_359 {
        %add3A_367 = arith.constant 8388608 : i32
        %add3A_368 = arith.addi %add3A_367, %mul3A_2 : i32
        %mul3A_369 = arith.constant 16384 : i32
        %mul3A_370 = arith.muli %add3A_354, %mul3A_369 : i32
        %add3A_371 = arith.addi %add3A_368, %mul3A_370 : i32
        %dma_start3A_372 = tpu.memref_slice %arg2[%add3A_371] : memref<33554432xf32, #tpu.memory_space<hbm>> -> memref<16384xf32, #tpu.memory_space<hbm>>
        %dma_start3A_373 = tpu.memref_slice %arg2[%add3A_371] : memref<33554432xf32, #tpu.memory_space<hbm>> -> memref<16384xf32, #tpu.memory_space<hbm>>
        tpu.enqueue_dma source(%dma_start3A_373 : memref<16384xf32, #tpu.memory_space<hbm>>) target(%arg6 : memref<16384xf32, #tpu.memory_space<vmem>>) target_semaphore(%arg12 : memref<!tpu.dma_semaphore, #tpu.memory_space<semaphore_mem>>)
      } else {
      }
      %add3A_360 = arith.constant 2 : i32
      %add3A_361 = arith.addi %add3A_202, %add3A_360 : i32
      %lt3A_362 = arith.constant 16 : i32
      %lt3A_363 = arith.cmpi slt, %add3A_361, %lt3A_362 : i32
      %convert_element_type3A_364 = arith.extui %lt3A_363 : i1 to i32
      %cond3A_365 = arith.constant 0 : i32
      %cond3A_366 = arith.cmpi ne, %convert_element_type3A_364, %cond3A_365 : i32
      scf.if %cond3A_366 {
        %mul3A_367 = arith.constant 16384 : i32
        %mul3A_368 = arith.muli %add3A_361, %mul3A_367 : i32
        %add3A_369 = arith.addi %mul3A_2, %mul3A_368 : i32
        %dma_start3A_370 = tpu.memref_slice %arg3[%add3A_369] : memref<8388608xf32, #tpu.memory_space<hbm>> -> memref<16384xf32, #tpu.memory_space<hbm>>
        %dma_start3A_371 = tpu.memref_slice %arg3[%add3A_369] : memref<8388608xf32, #tpu.memory_space<hbm>> -> memref<16384xf32, #tpu.memory_space<hbm>>
        tpu.enqueue_dma source(%dma_start3A_371 : memref<16384xf32, #tpu.memory_space<hbm>>) target(%arg10 : memref<16384xf32, #tpu.memory_space<vmem>>) target_semaphore(%arg16 : memref<!tpu.dma_semaphore, #tpu.memory_space<semaphore_mem>>)
      } else {
      }
    }
    %scan3A_26 = arith.constant 8 : i32
    %add3A_27 = arith.constant 16777216 : i32
    %add3A_28 = arith.addi %add3A_27, %mul3A_2 : i32
    %add3A_29 = arith.constant 245760 : i32
    %add3A_30 = arith.addi %add3A_28, %add3A_29 : i32
    %dma_wait3A = tpu.memref_slice %arg4[%add3A_30] : memref<33554432xf32, #tpu.memory_space<hbm>> -> memref<16384xf32, #tpu.memory_space<hbm>>
    %dma_wait3A_31 = tpu.memref_slice %arg4[%add3A_30] : memref<33554432xf32, #tpu.memory_space<hbm>> -> memref<16384xf32, #tpu.memory_space<hbm>>
    tpu.wait_dma2 semaphore(%arg13 : memref<!tpu.dma_semaphore, #tpu.memory_space<semaphore_mem>>) src(%arg7 : memref<16384xf32, #tpu.memory_space<vmem>>) dst(%dma_wait3A_31 : memref<16384xf32, #tpu.memory_space<hbm>>)
    %add3A_32 = arith.constant 25165824 : i32
    %add3A_33 = arith.addi %add3A_32, %mul3A_2 : i32
    %add3A_34 = arith.constant 245760 : i32
    %add3A_35 = arith.addi %add3A_33, %add3A_34 : i32
    %dma_wait3A_36 = tpu.memref_slice %arg4[%add3A_35] : memref<33554432xf32, #tpu.memory_space<hbm>> -> memref<16384xf32, #tpu.memory_space<hbm>>
    %dma_wait3A_37 = tpu.memref_slice %arg4[%add3A_35] : memref<33554432xf32, #tpu.memory_space<hbm>> -> memref<16384xf32, #tpu.memory_space<hbm>>
    tpu.wait_dma2 semaphore(%arg14 : memref<!tpu.dma_semaphore, #tpu.memory_space<semaphore_mem>>) src(%arg8 : memref<16384xf32, #tpu.memory_space<vmem>>) dst(%dma_wait3A_37 : memref<16384xf32, #tpu.memory_space<hbm>>)
    return
  }
}

</mosaic_0001>

<sc_bundles>
// kernel: kernel.3.cloned.1.call-start
scs
__scs_entry_jumppad:
0x0: {  	(pc) =	sbr.rel $0x88, $3  }
0x1: {  	(tag) =	ssettag $0x0;
	lr =	simm.s32 $0x1  }
0x2: {  	[smem:$0x3F9F] =	sst lr;
	_ =	strace $0xD0000000  }
0x3: {  	_ = 	snop  }
0x4: {  	_ = 	snop  }
0x5: {  	_ = 	snop  }
0x6: {  	_ = 	snop  }
0x7: {  	_ = 	snop  }
__scs_overlays_trampoline_lowered:
0x8: {  	[smem:$0x3FAE] =	sst s0  }
0x9: {  	[smem:$0x3FAF] =	sst s1  }
0xa: {  	[smem:$0x3FB0] =	sst s2  }
0xb: {  	[smem:$0x3FB1] =	sst s3  }
0xc: {  	[smem:$0x3FB2] =	sst s4  }
0xd: {  	[smem:$0x3FB3] =	sst s5  }
0xe: {  	[smem:$0x3FB4] =	sst s6  }
0xf: {  	[smem:$0x3FB5] =	sst s7  }
0x10: {  	[smem:$0x3FB6] =	sst s8  }
0x11: {  	[smem:$0x3FB7] =	sst s9;
	s0 =	simm.s32 @!p0 $0x0  }
0x12: {  	s1 =	sld [smem:$0x3F9D];
	s0 =	simm.s32 @p0 $0x1  }
0x13: {  	[smem:$0x3FB8] =	sst s0;
	s0 =	simm.s32 @!p1 $0x0  }
0x14: {  	s2 =	sld [smem:$0x3F9C];
	s0 =	simm.s32 @p1 $0x1  }
0x15: {  	[smem:$0x3FB9] =	sst s0;
	s0 =	simm.s32 @!p2 $0x0  }
0x16: {  	s3 =	sld [smem:$0x3FDB];
	s0 =	simm.s32 @p2 $0x1  }
0x17: {  	s4 =	simm.s32 $0x1BF5;
	[smem:$0x3FBB] =	sst s0  }
0x18: {  	s0 =	sld [smem:$0x3F9E];
	_ =	swait.ge [sflag:s4], $0x0  }
0x19: {  	s7 =	sld [smem:$0x3F9F]  }
0x1a: {  	s8 =	sadd.s32 $0xFFFFE003, lr  }
0x1b: {  	s9 =	sadd.s32 $0xFFFFFEF7, lr;
	s5 =	simm.s32 $0xFFFFFFFF;
	p2 =	slt.u32 s8, $0xFFFFF086  }
0x1c: {  	p1 =	slt.u32 s9, $0xF7A;
	s5 =	simm.s32 @!p2 $0x0  }
0x1d: {  	s5 =	simm.s32 @p1 $0x1;
	p0 =	seq.s32 s7, s2  }
0x1e: {  	s7 =	smul.u32 @!p0 $0xF7A, s2;
	p2 =	seq.s32 @!p0 s5, $0x0  }
0x1f: {  	s9 =	smul.u32 $0xF7A, s1;
	s8 =	simm.s32 @!p0 $0x1BF5;
	p2 =	por !p2, p0  }
0x20: {  	[sflag:s8] =	ssyncset.s32 @!p0 $0xFFFFF086;
	s6 =	sadd.s32 @!p0 s3, s7;
	s7 =	simm.s32 @!p0 $0x108  }
0x21: {  	s3 =	sadd.s32 s3, s9;
	s6 =	sadd.s32 @!p0 $0x88, s6;
	s7 =	simm.s32 @p2 $0x1082  }
0x22: {  	[simem:s7], [sflag:s8] =	dma.local @!p0 [hbm:s6], $0xF7A  }
0x23: {  	s9 =	sor.u32 $0xD0000000, s2;
	s6 =	simm.s32 $0x108;
	_ =	swait.ge @!p0 [sflag:s8], $0x0  }
0x24: {  	s3 =	sadd.s32 $0x88, s3;
	s6 =	simm.s32 @!p1 $0x1082;
	[sflag:s4] =	ssyncset.s32 $0xFFFFF086  }
0x25: {  	[simem:s6], [sflag:s4] =	dma.local [hbm:s3], $0xF7A  }
0x26: {  	[smem:$0x3F9F] =	sst s1;
	(tag) =	ssettag s2;
	_ =	strace s9  }
0x27: {  	s1 =	sld [smem:$0x3FAF]  }
0x28: {  	s2 =	sld [smem:$0x3FB0]  }
0x29: {  	s4 =	sld [smem:$0x3FB2]  }
0x2a: {  	p0 =	seq.s32 s5, $0x0;
	s5 =	sld [smem:$0x3FB3]  }
0x2b: {  	s6 =	sld [smem:$0x3FB4]  }
0x2c: {  	s7 =	sld [smem:$0x3FB5]  }
0x2d: {  	s3 =	simm.s32 $0x108;
	s8 =	sld [smem:$0x3FB6]  }
0x2e: {  	s3 =	simm.s32 @!p0 $0x1082;
	s9 =	sld [smem:$0x3FB7]  }
0x2f: {  	lr =	sadd.s32 s0, s3;
	s0 =	sld [smem:$0x3FAE]  }
0x30: {  	s3 =	sld [smem:$0x3FB1]  }
0x31: {  	[smem:$0x3FBA] =	sst s10  }
0x32: {  	s10 =	sld [smem:$0x3FB8];
	_ =	sdelay $0x3  }
0x33: {  	p0 =	seq.s32 s10, $0x1;
	s10 =	sld [smem:$0x3FBA];
	_ =	sdelay $0x3  }
0x34: {  	[smem:$0x3FBA] =	sst s10  }
0x35: {  	s10 =	sld [smem:$0x3FB9];
	_ =	sdelay $0x3  }
0x36: {  	p1 =	seq.s32 s10, $0x1;
	s10 =	sld [smem:$0x3FBA];
	_ =	sdelay $0x3  }
0x37: {  	[smem:$0x3FBA] =	sst s10  }
0x38: {  	s10 =	sld [smem:$0x3FBB]  }
0x39: {  	_ = 	snop;
	(pc) =	sbr.ind lr, $3  }
0x3a: {  	_ = 	snop  }
0x3b: {  	_ = 	snop  }
0x3c: {  	p2 =	seq.s32 s10, $0x1;
	s10 =	sld [smem:$0x3FBA]  }
0x3d: {  	_ =	shalt  }
0x3e: {  	_ =	shalt  }
0x3f: {  	_ =	shalt  }
0x40: {  	_ =	shalt  }
0x41: {  	_ =	shalt  }
0x42: {  	_ =	shalt  }
0x43: {  	_ =	shalt  }
0x44: {  	_ =	shalt  }
0x45: {  	_ =	shalt  }
0x46: {  	_ =	shalt  }
0x47: {  	_ =	shalt  }
0x48: {  	_ =	shalt  }
0x49: {  	_ =	shalt  }
0x4a: {  	_ =	shalt  }
0x4b: {  	_ =	shalt  }
0x4c: {  	_ =	shalt  }
0x4d: {  	_ =	shalt  }
0x4e: {  	_ =	shalt  }
0x4f: {  	_ =	shalt  }
0x50: {  	_ =	shalt  }
0x51: {  	_ =	shalt  }
0x52: {  	_ =	shalt  }
0x53: {  	_ =	shalt  }
0x54: {  	_ =	shalt  }
0x55: {  	_ =	shalt  }
0x56: {  	_ =	shalt  }
0x57: {  	_ =	shalt  }
0x58: {  	_ =	shalt  }
0x59: {  	_ =	shalt  }
0x5a: {  	_ =	shalt  }
0x5b: {  	_ =	shalt  }
0x5c: {  	_ =	shalt  }
0x5d: {  	_ =	shalt  }
0x5e: {  	_ =	shalt  }
0x5f: {  	_ =	shalt  }
0x60: {  	_ =	shalt  }
0x61: {  	_ =	shalt  }
0x62: {  	_ =	shalt  }
0x63: {  	_ =	shalt  }
0x64: {  	_ =	shalt  }
0x65: {  	_ =	shalt  }
0x66: {  	_ =	shalt  }
0x67: {  	_ =	shalt  }
0x68: {  	_ =	shalt  }
0x69: {  	_ =	shalt  }
0x6a: {  	_ =	shalt  }
0x6b: {  	_ =	shalt  }
0x6c: {  	_ =	shalt  }
0x6d: {  	_ =	shalt  }
0x6e: {  	_ =	shalt  }
0x6f: {  	_ =	shalt  }
0x70: {  	_ =	shalt  }
0x71: {  	_ =	shalt  }
0x72: {  	_ =	shalt  }
0x73: {  	_ =	shalt  }
0x74: {  	_ =	shalt  }
0x75: {  	_ =	shalt  }
0x76: {  	_ =	shalt  }
0x77: {  	_ =	shalt  }
0x78: {  	_ =	shalt  }
0x79: {  	_ =	shalt  }
0x7a: {  	_ =	shalt  }
0x7b: {  	_ =	shalt  }
0x7c: {  	_ =	shalt  }
0x7d: {  	_ =	shalt  }
0x7e: {  	_ =	shalt  }
0x7f: {  	_ =	shalt  }
0x80: {  	_ =	shalt  }
0x81: {  	_ =	shalt  }
0x82: {  	_ =	shalt  }
0x83: {  	_ =	shalt  }
0x84: {  	_ =	shalt  }
0x85: {  	_ =	shalt  }
0x86: {  	_ =	shalt  }
0x87: {  	_ =	shalt  }
.Lfunc_end0:
.L_simem_size_0:
called_computation.2_lowered:
.L_overlay_start_0:
0x88: {  	s2 =	sld [smem:$0x3FD9]  }
0x89: {  	s3 =	sld [smem:$0x3FFE];
	_ =	sdelay $0x1  }
0x8a: {  	s1 =	srdreg.scid  }
0x8b: {  	s0 =	sand.u32 $0x1, s1  }
0x8c: {  	s17 =	sshll.u32 s0, $0xA;
	s2 =	sadd.s32 s3, s2  }
0x8d: {  	s2 =	sadd.s32 s2, s17  }
0x8e: {  	[smem:$0x3FC6] =	sst s2  }
0x8f: {  	_ = 	snop  }
0x90: {  	s2 =	sld [smem:$0x3FD0];
	(tm) =	ssettm $0x1  }
0x91: {  	s18 =	sld [smem:$0x3FFB];
	_ =	sdelay $0x3  }
0x92: {  	_ =	strace s18  }
0x93: {  	s3 =	sld [smem:$0x3FFC];
	_ =	sdelay $0x3  }
0x94: {  	_ =	strace s3  }
0x95: {  	s3 =	sld [smem:$0x3FFD];
	_ =	sdelay $0x3  }
0x96: {  	_ =	strace s3  }
0x97: {  	_ =	strace $0x8FFFFFFF  }
0x98: {  	s19 =	sld [smem:$0x3FDB];
	_ =	sdelay $0x1  }
0x99: {  	s4 =	simm.s32 $_scs_section_size  }
0x9a: {  	s5 =	simm.s32 $_size__tile_overlayer_lowered;
	s6 =	simm.s32 $_tile_overlayer_lowered  }
0x9b: {  	s22 =	simm.s32 $0x1BFF;
	s21 =	sshll.u32 s6, $0x1;
	s3 =	sadd.s32 s4, s19  }
0x9c: {  	s7 =	simm.s32 $0x0;
	s20 =	sshll.u32 s5, $0x1;
	s5 =	sadd.s32 s21, s3  }
0x9d: {  	[timem:s7], [sflag:s22] =	dma.local [hbm:s5], s20  }
0x9e: {  	_ =	swait.ge [sflag:s22], s20  }
0x9f: {  	s4 =	ssub.s32 $0x0, s20;
	[sflag:s22] =	ssyncset.done $0x0  }
0xa0: {  	[sflag:s22] =	ssyncadd.s32 s4;
	_ =	sdelay $0x1  }
0xa1: {  	s23 =	simm.s32 $0x1B8B  }
0xa2: {  	_ =	swait.ge [sflag:s23], $0x1  }
0xa3: {  	[sflag:s23] =	ssyncset.done $0x0  }
0xa4: {  	s25 =	simm.s32 $0x1B8E;
	s24 =	sld [smem:$0x3FFE];
	[sflag:s23] =	ssyncadd.s32 $0xFFFFFFFF  }
0xa5: {  	s26 =	simm.s32 $execute0_lowered;
	[smem:$0x3FD2] =	sst s25  }
0xa6: {  	s5 =	sshll.u32 s26, $0x1;
	_ =	strace $0x8000004C;
	[dreg:$0x1] =	wrdreg $0xFFFFFFFF  }
0xa7: {  	s28 =	simm.s32 $_size_execute0_lowered;
	s3 =	sadd.s32 s3, s5;
	[dreg:$0x0] =	wrdreg $0x0  }
0xa8: {  	s5 =	sshll.u32 s28, $0x1;
	[dreg:$0x2] =	wrdreg s3  }
0xa9: {  	[dreg:$0x3] =	wrdreg s5  }
0xaa: {  	[dreg:$0x4] =	wrdreg $0xC0  }
0xab: {  	_ =	task [dreg:s7], $0x5FFFF  }
0xac: {  	[dreg:$0x1] =	wrdreg $0xFFFFFFFF  }
0xad: {  	[dreg:$0x0] =	wrdreg $0x60  }
0xae: {  	[dreg:$0x2] =	wrdreg s2  }
0xaf: {  	[dreg:$0x3] =	wrdreg s24  }
0xb0: {  	[dreg:$0x4] =	wrdreg $0x9  }
0xb1: {  	_ =	task.clear_ibuf [dreg:s7], $0x5FFFF;
	_ =	strace $0x9000004C  }
0xb2: {  	s29 =	simm.s32 $0x9;
	_ =	strace $0x8000004E  }
0xb3: {  	_ =	swait.ge [sflag:s29], $0x1  }
0xb4: {  	[sflag:s29] =	ssyncadd.s32 $0xFFFFFFFF  }
0xb5: {  	_ =	strace $0x9000004E  }
0xb6: {  	_ =	sfence  }
0xb7: {  	s30 =	sld [smem:$0x0];
	_ =	sdelay $0x2  }
0xb8: {  	s31 =	sshll.u32 s1, $0xD;
	s1 =	sshrl.u32 s1, $0x2  }
0xb9: {  	s3 =	sand.u32 $0x4000, s31;
	s1 =	sadd.s32 s1, s30  }
0xba: {  	s0 =	sor.u32 s3, s0;
	s1 =	sshll.u32 s1, $0x11  }
0xbb: {  	s0 =	sor.u32 s1, s0  }
0xbc: {  	s0 =	sadd.s32 $0x8F2B, s0  }
0xbd: {  	[sflag:s0] =	ssyncadd.remote.s32 $0x1  }
0xbe: {  	_ =	sfence.sel $0xFFFF  }
0xbf: {  	[dreg:$0x0] =	wrdreg $0xFFFFFFFF;
	(pc) =	sbr.abs _section_cstart, $3  }
0xc0: {  	[dreg:$0x1] =	wrdreg $0xFFFFFFFF  }
0xc1: {  	_ =	task.clear_ibuf [dreg:s7], $0x2FFFF;
	_ =	strace $0x9FFFFFFF  }
0xc2: {  	(tm) =	ssettm $0x7FFFFFFF  }
0xc3: {  	_ =	shalt  }
tec
execute0_lowered:
.L_overlay_start_1:
0x0: {  	(tag) =	ssettag $0x1  }
0x1: {  	s1 =	rddreg [dreg:$0x0]  }
0x2: {  	s0 =	rddreg [dreg:$0x1];
	s3 =	simm.s32 $0x0;
	s2 =	srdreg.scid  }
0x3: {  	s5 =	stileid.u32;
	s19 =	simm.s32 $0x14000;
	s20 =	simm.s32 $0x4000  }
0x4: {  	s21 =	simm.s32 $0x1;
	s22 =	simm.s32 $0x5;
	s23 =	simm.s32 $0x8000  }
0x5: {  	s24 =	simm.s32 $0x2;
	s25 =	simm.s32 $0xC000;
	s26 =	simm.s32 $0x3  }
0x6: {  	s28 =	simm.s32 $0x4;
	s29 =	simm.s32 $0x6;
	[smem:$0x7FF] =	sst s3  }
0x7: {  	s2 =	sand.u32 $0x1, s2;
	s4 =	sadd.s32 $0xC00, s0;
	s6 =	sshll.u32 s5, $0x13  }
0x8: {  	s5 =	sadd.s32 $0x100C00, s0;
	s12 =	sadd.s32 $0x200000, s1;
	s7 =	sshll.u32 s2, $0x12  }
0x9: {  	s13 =	sadd.s32 $0x300000, s1;
	s30 =	ssub.s32 $0x2, s2;
	s6 =	sor.u32 s7, s6  }
0xa: {  	_ =	strace $0x8000004D;
	s2 =	sshrl.u32 s30, $0x1;
	s8 =	sshrl.u32 s6, $0x3  }
0xb: {  	s7 =	sor.u32 $0x800000, s6;
	s0 =	ssub.s32 s30, s2;
	s9 =	sadd.s32 s4, s8  }
.Ltmp0:
0xc: {  	s8 =	sadd.s32 s1, s8;
	[dreg:$0x3] =	wrdreg s9;
	(pc) =	sbr.rel .LBB2_1-.Ltmp0, $4  }
0xd: {  	s14 =	sor.u32 $0x1000000, s6;
	s0 =	smax.u32 s0, $0x1;
	[dreg:$0x5] =	wrdreg s8  }
0xe: {  	s31 =	sshrl.u32 s7, $0x3;
	s9 =	sadd.s32 $0x800, s9;
	[dreg:$0x7] =	wrdreg s0  }
0xf: {  	s15 =	sor.u32 $0x1800000, s6;
	s2 =	sadd.s32 s1, s31;
	[dreg:$0x4] =	wrdreg s9  }
0x10: {  	s16 =	sor.u32 $0xC000, s6;
	[dreg:$0x6] =	wrdreg s2;
	s2 =	simm.s32 $0x0  }
.LBB2_20:
0x11: {  	_ =	swait.ge [sflag:s26], $0x4000  }
0x12: {  	[sflag:s26] =	ssyncset.done $0x0  }
0x13: {  	[sflag:s26] =	ssyncadd.s32 $0xFFFFC000  }
0x14: {  	_ =	swait.ge [sflag:s28], $0x4000  }
0x15: {  	s2 =	rddreg [dreg:$0x8]  }
0x16: {  	s0 =	rddreg [dreg:$0x7];
	s2 =	sadd.s32 $0x1, s2  }
0x17: {  	p0 =	sne.s32 s2, s0  }
.Ltmp1:
0x18: {  	_ = 	snop;
	(pc) =	sbr.rel @!p0 .LBB2_21-.Ltmp1, $3  }
0x19: {  	_ =	sdelay $0x1  }
0x1a: {  	[sflag:s28] =	ssyncset.done $0x0  }
0x1b: {  	[sflag:s28] =	ssyncadd.s32 $0xFFFFC000  }
.LBB2_1:
0x1c: {  	[dreg:$0x8] =	wrdreg s2  }
0x1d: {  	s0 =	rddreg [dreg:$0x3];
	s11 =	simm.s32 $0x10000  }
0x1e: {  	[tilespmem:s11], [sflag:$0x5] =	stream.linear.gather [hbm4b:s0+s3], $0x4000, $0x38;
	[tilespmem:$0x18000] =	vst v63  }
0x1f: {  	s17 =	rddreg [dreg:$0x4]  }
0x20: {  	[tilespmem:s19], [sflag:$0x6] =	stream.linear.gather [hbm4b:s17+s3], $0x4000, $0x38;
	[tilespmem:$0x18000] =	vst v63  }
0x21: {  	s18 =	rddreg [dreg:$0x5]  }
0x22: {  	[tilespmem:s3], [sflag:$0x1] =	stream.linear.gather [hbm4b:s18+s3], $0x4000, $0x38;
	[tilespmem:$0x18000] =	vst v63  }
0x23: {  	s30 =	rddreg [dreg:$0x6];
	s31 =	simm.s32 $0x0  }
0x24: {  	[tilespmem:s20], [sflag:$0x2] =	stream.linear.gather [hbm4b:s30+s3], $0x4000, $0x38;
	[tilespmem:$0x18000] =	vst v63  }
.LBB2_2:
0x25: {  	_ =	swait.ge [sflag:s21], $0x4000  }
0x26: {  	[sflag:s21] =	ssyncset.done $0x0  }
0x27: {  	[sflag:s21] =	ssyncadd.s32 $0xFFFFC000  }
0x28: {  	_ =	swait.ge [sflag:s22], $0x4000  }
0x29: {  	p0 =	seq.s32 s31, $0x0;
	[sflag:s22] =	ssyncset.done $0x0  }
0x2a: {  	s0 =	simm.s32 @!p0 $0x3;
	[sflag:s22] =	ssyncadd.s32 $0xFFFFC000  }
0x2b: {  	_ =	swait.ge @!p0 [sflag:s0], $0x4000  }
0x2c: {  	[sflag:s0] =	ssyncset.done @!p0 $0x0  }
0x2d: {  	s9 =	simm.s32 $0x0;
	[sflag:s0] =	ssyncadd.s32 @!p0 $0xFFFFC000  }
0x2e: {  	v2 =	vld [tilespmem:s9+$0x30]  }
0x2f: {  	v4 =	vld [tilespmem:s9+$0x10030]  }
0x30: {  	v5 =	vld [tilespmem:s9+$0x0]  }
0x31: {  	v6 =	vld [tilespmem:s9+$0x10000]  }
0x32: {  	v1 =	vld [tilespmem:s9+$0x10]  }
0x33: {  	v3 =	vld [tilespmem:s9+$0x10010]  }
0x34: {  	v0 =	vld [tilespmem:s9+$0x20];
	v7 =	vadd.f32 v4, v2  }
0x35: {  	s10 =	simm.s32 $0x40;
	s0 =	sshll.u32 s31, $0xF;
	v4 =	vld [tilespmem:s9+$0x10020]  }
0x36: {  	s2 =	sshll.u32 s31, $0x1;
	s11 =	simm.s32 $0x200;
	s8 =	sor.u32 s6, s0;
	v2 =	vld [tilespmem:s10+$0x30];
	v5 =	vadd.f32 v6, v5;
	[tilespmem:s9+$0x8030] =	vst v7  }
.LBB2_3:
0x37: {  	p1 =	sne.s32 s11, $0xFF00;
	v6 =	vld [tilespmem:s10+$0x10030]  }
0x38: {  	v7 =	vld [tilespmem:s10+$0x0];
	[tilespmem:s9+$0x8000] =	vst v5;
	v3 =	vadd.f32 v3, v1  }
0x39: {  	v5 =	vld [tilespmem:s10+$0x10000]  }
.Ltmp2:
0x3a: {  	v1 =	vld [tilespmem:s10+$0x10];
	[tilespmem:s9+$0x8010] =	vst v3;
	v4 =	vadd.f32 v4, v0;
	(pc) =	sbr.rel @p1 .LBB2_3-.Ltmp2, $4  }
0x3b: {  	v3 =	vld [tilespmem:s10+$0x10010]  }
0x3c: {  	v0 =	vld [tilespmem:s10+$0x20];
	v6 =	vadd.f32 v6, v2;
	[tilespmem:s9+$0x8020] =	vst v4;
	s9 =	smov.u32 s10  }
0x3d: {  	s10 =	sshra.s32 s11, $0x2;
	v4 =	vld [tilespmem:s9+$0x10020]  }
0x3e: {  	s11 =	sadd.s32 $0x100, s11;
	v2 =	vld [tilespmem:s10+$0x30];
	v5 =	vadd.f32 v5, v7;
	[tilespmem:s9+$0x8030] =	vst v6  }
0x3f: {  	v6 =	vld [tilespmem:s10+$0x10030]  }
0x40: {  	v7 =	vld [tilespmem:s10+$0x0];
	[tilespmem:s9+$0x8000] =	vst v5;
	v1 =	vadd.f32 v3, v1  }
0x41: {  	v3 =	vld [tilespmem:s10+$0x10000]  }
0x42: {  	v5 =	vld [tilespmem:s10+$0x10];
	[tilespmem:s9+$0x8010] =	vst v1;
	v0 =	vadd.f32 v4, v0  }
0x43: {  	v1 =	vld [tilespmem:s10+$0x10010]  }
0x44: {  	v4 =	vld [tilespmem:s10+$0x20];
	[tilespmem:s9+$0x8020] =	vst v0  }
0x45: {  	v0 =	vld [tilespmem:s10+$0x10020];
	_ =	sdelay $0x1  }
0x46: {  	v2 =	vadd.f32 v6, v2  }
0x47: {  	v3 =	vadd.f32 v3, v7  }
0x48: {  	[tilespmem:s10+$0x8030] =	vst v2;
	v1 =	vadd.f32 v1, v5  }
0x49: {  	[tilespmem:s10+$0x8000] =	vst v3;
	v0 =	vadd.f32 v0, v4  }
0x4a: {  	s9 =	sshrl.u32 s8, $0x3;
	[tilespmem:s10+$0x8010] =	vst v1  }
0x4b: {  	s8 =	sadd.s32 s5, s9;
	[tilespmem:s10+$0x8020] =	vst v0  }
0x4c: {  	[hbm4b:s8+s3] =	stream.linear.scatter [tilespmem:s23], [sflag:$0x3], $0x4000, $0x38;
	[tilespmem:$0x18000] =	vst v63  }
0x4d: {  	s30 =	sadd.s32 s9, s12  }
0x4e: {  	[tilespmem:s3], [sflag:$0x1] =	stream.linear.gather [hbm4b:s30+s3], $0x4000, $0x38;
	[tilespmem:$0x18000] =	vst v63  }
0x4f: {  	_ =	swait.ge [sflag:s24], $0x4000  }
0x50: {  	[sflag:s24] =	ssyncset.done $0x0  }
0x51: {  	s8 =	simm.s32 @!p0 $0x4;
	[sflag:s24] =	ssyncadd.s32 $0xFFFFC000  }
0x52: {  	_ =	swait.ge @!p0 [sflag:s8], $0x4000  }
0x53: {  	[sflag:s8] =	ssyncset.done @!p0 $0x0  }
0x54: {  	s10 =	simm.s32 $0x0;
	[sflag:s8] =	ssyncadd.s32 @!p0 $0xFFFFC000  }
0x55: {  	v2 =	vld [tilespmem:s10+$0x4030]  }
0x56: {  	v4 =	vld [tilespmem:s10+$0x10030]  }
0x57: {  	v5 =	vld [tilespmem:s10+$0x4000]  }
0x58: {  	v6 =	vld [tilespmem:s10+$0x10000]  }
0x59: {  	v1 =	vld [tilespmem:s10+$0x4010]  }
0x5a: {  	v3 =	vld [tilespmem:s10+$0x10010]  }
0x5b: {  	v0 =	vld [tilespmem:s10+$0x4020];
	v7 =	vadd.f32 v4, v2  }
0x5c: {  	s11 =	simm.s32 $0x40;
	v4 =	vld [tilespmem:s10+$0x10020]  }
0x5d: {  	s17 =	simm.s32 $0x200;
	s8 =	sor.u32 s7, s0;
	v2 =	vld [tilespmem:s11+$0x4030];
	v5 =	vadd.f32 v6, v5;
	[tilespmem:s10+$0xC030] =	vst v7  }
.LBB2_5:
0x5e: {  	p0 =	sne.s32 s17, $0xFF00;
	v6 =	vld [tilespmem:s11+$0x10030]  }
0x5f: {  	v7 =	vld [tilespmem:s11+$0x4000];
	[tilespmem:s10+$0xC000] =	vst v5;
	v3 =	vadd.f32 v3, v1  }
0x60: {  	v5 =	vld [tilespmem:s11+$0x10000]  }
.Ltmp3:
0x61: {  	v1 =	vld [tilespmem:s11+$0x4010];
	[tilespmem:s10+$0xC010] =	vst v3;
	v4 =	vadd.f32 v4, v0;
	(pc) =	sbr.rel @p0 .LBB2_5-.Ltmp3, $4  }
0x62: {  	v3 =	vld [tilespmem:s11+$0x10010]  }
0x63: {  	v0 =	vld [tilespmem:s11+$0x4020];
	v6 =	vadd.f32 v6, v2;
	[tilespmem:s10+$0xC020] =	vst v4;
	s10 =	smov.u32 s11  }
0x64: {  	s11 =	sshra.s32 s17, $0x2;
	v4 =	vld [tilespmem:s10+$0x10020]  }
0x65: {  	s17 =	sadd.s32 $0x100, s17;
	v2 =	vld [tilespmem:s11+$0x4030];
	v5 =	vadd.f32 v5, v7;
	[tilespmem:s10+$0xC030] =	vst v6  }
0x66: {  	v6 =	vld [tilespmem:s11+$0x10030]  }
0x67: {  	v7 =	vld [tilespmem:s11+$0x4000];
	[tilespmem:s10+$0xC000] =	vst v5;
	v1 =	vadd.f32 v3, v1  }
0x68: {  	v3 =	vld [tilespmem:s11+$0x10000]  }
0x69: {  	v5 =	vld [tilespmem:s11+$0x4010];
	[tilespmem:s10+$0xC010] =	vst v1;
	v0 =	vadd.f32 v4, v0  }
0x6a: {  	v1 =	vld [tilespmem:s11+$0x10010]  }
0x6b: {  	v4 =	vld [tilespmem:s11+$0x4020];
	[tilespmem:s10+$0xC020] =	vst v0  }
0x6c: {  	v0 =	vld [tilespmem:s11+$0x10020];
	_ =	sdelay $0x1  }
0x6d: {  	v2 =	vadd.f32 v6, v2  }
0x6e: {  	v3 =	vadd.f32 v3, v7  }
0x6f: {  	[tilespmem:s11+$0xC030] =	vst v2;
	v1 =	vadd.f32 v1, v5  }
0x70: {  	[tilespmem:s11+$0xC000] =	vst v3;
	v0 =	vadd.f32 v0, v4  }
0x71: {  	s8 =	sshrl.u32 s8, $0x3;
	[tilespmem:s11+$0xC010] =	vst v1  }
0x72: {  	s17 =	simm.s32 $0x0;
	s8 =	sadd.s32 s5, s8;
	[tilespmem:s11+$0xC020] =	vst v0  }
0x73: {  	[hbm4b:s8+s17] =	stream.linear.scatter [tilespmem:s25], [sflag:$0x4], $0x4000, $0x38;
	[tilespmem:$0x18000] =	vst v63  }
0x74: {  	s18 =	sadd.s32 s9, s13  }
0x75: {  	[tilespmem:s20], [sflag:$0x2] =	stream.linear.gather [hbm4b:s18+s17], $0x4000, $0x38;
	[tilespmem:$0x18000] =	vst v63  }
0x76: {  	_ =	swait.ge [sflag:s21], $0x4000  }
0x77: {  	[sflag:s21] =	ssyncset.done $0x0  }
0x78: {  	[sflag:s21] =	ssyncadd.s32 $0xFFFFC000  }
0x79: {  	_ =	swait.ge [sflag:s26], $0x4000  }
0x7a: {  	[sflag:s26] =	ssyncset.done $0x0  }
0x7b: {  	s9 =	simm.s32 $0x0;
	[sflag:s26] =	ssyncadd.s32 $0xFFFFC000  }
0x7c: {  	v2 =	vld [tilespmem:s9+$0x30]  }
0x7d: {  	v4 =	vld [tilespmem:s9+$0x10030]  }
0x7e: {  	v5 =	vld [tilespmem:s9+$0x0]  }
0x7f: {  	v6 =	vld [tilespmem:s9+$0x10000]  }
0x80: {  	v1 =	vld [tilespmem:s9+$0x10]  }
0x81: {  	v3 =	vld [tilespmem:s9+$0x10010]  }
0x82: {  	s30 =	sor.u32 s14, s0;
	v0 =	vld [tilespmem:s9+$0x20];
	v7 =	vadd.f32 v4, v2  }
0x83: {  	s11 =	simm.s32 $0x40;
	s8 =	sshrl.u32 s30, $0x3;
	v4 =	vld [tilespmem:s9+$0x10020]  }
0x84: {  	s10 =	sadd.s32 s5, s8;
	s8 =	simm.s32 $0x200;
	v2 =	vld [tilespmem:s11+$0x30];
	v5 =	vadd.f32 v6, v5;
	[tilespmem:s9+$0x8030] =	vst v7  }
.LBB2_7:
0x85: {  	p0 =	sne.s32 s8, $0xFF00;
	v6 =	vld [tilespmem:s11+$0x10030]  }
0x86: {  	v7 =	vld [tilespmem:s11+$0x0];
	[tilespmem:s9+$0x8000] =	vst v5;
	v3 =	vadd.f32 v3, v1  }
0x87: {  	v5 =	vld [tilespmem:s11+$0x10000]  }
.Ltmp4:
0x88: {  	v1 =	vld [tilespmem:s11+$0x10];
	[tilespmem:s9+$0x8010] =	vst v3;
	v4 =	vadd.f32 v4, v0;
	(pc) =	sbr.rel @p0 .LBB2_7-.Ltmp4, $4  }
0x89: {  	v3 =	vld [tilespmem:s11+$0x10010]  }
0x8a: {  	v0 =	vld [tilespmem:s11+$0x20];
	v6 =	vadd.f32 v6, v2;
	[tilespmem:s9+$0x8020] =	vst v4;
	s9 =	smov.u32 s11  }
0x8b: {  	s11 =	sshra.s32 s8, $0x2;
	v4 =	vld [tilespmem:s9+$0x10020]  }
0x8c: {  	s8 =	sadd.s32 $0x100, s8;
	v2 =	vld [tilespmem:s11+$0x30];
	v5 =	vadd.f32 v5, v7;
	[tilespmem:s9+$0x8030] =	vst v6  }
0x8d: {  	v6 =	vld [tilespmem:s11+$0x10030]  }
0x8e: {  	v7 =	vld [tilespmem:s11+$0x0];
	[tilespmem:s9+$0x8000] =	vst v5;
	v1 =	vadd.f32 v3, v1  }
0x8f: {  	v3 =	vld [tilespmem:s11+$0x10000]  }
0x90: {  	v5 =	vld [tilespmem:s11+$0x10];
	[tilespmem:s9+$0x8010] =	vst v1;
	v0 =	vadd.f32 v4, v0  }
0x91: {  	v1 =	vld [tilespmem:s11+$0x10010]  }
0x92: {  	v4 =	vld [tilespmem:s11+$0x20];
	[tilespmem:s9+$0x8020] =	vst v0  }
0x93: {  	v0 =	vld [tilespmem:s11+$0x10020];
	_ =	sdelay $0x1  }
0x94: {  	v2 =	vadd.f32 v6, v2  }
0x95: {  	v3 =	vadd.f32 v3, v7  }
0x96: {  	[tilespmem:s11+$0x8030] =	vst v2;
	v1 =	vadd.f32 v1, v5  }
0x97: {  	[tilespmem:s11+$0x8000] =	vst v3;
	v0 =	vadd.f32 v0, v4  }
0x98: {  	s18 =	sor.u32 $0x4000, s0;
	[tilespmem:s11+$0x8010] =	vst v1  }
0x99: {  	s8 =	simm.s32 $0x0;
	s17 =	sor.u32 s6, s18;
	[tilespmem:s11+$0x8020] =	vst v0  }
0x9a: {  	[hbm4b:s10+s8] =	stream.linear.scatter [tilespmem:s23], [sflag:$0x3], $0x4000, $0x38;
	[tilespmem:$0x18000] =	vst v63  }
0x9b: {  	s10 =	sshrl.u32 s17, $0x3  }
0x9c: {  	s9 =	sadd.s32 s1, s10  }
0x9d: {  	[tilespmem:s8], [sflag:$0x1] =	stream.linear.gather [hbm4b:s9+s8], $0x4000, $0x38;
	[tilespmem:$0x18000] =	vst v63  }
0x9e: {  	_ =	swait.ge [sflag:s24], $0x4000  }
0x9f: {  	[sflag:s24] =	ssyncset.done $0x0  }
0xa0: {  	[sflag:s24] =	ssyncadd.s32 $0xFFFFC000  }
0xa1: {  	_ =	swait.ge [sflag:s28], $0x4000  }
0xa2: {  	[sflag:s28] =	ssyncset.done $0x0  }
0xa3: {  	s9 =	simm.s32 $0x0;
	[sflag:s28] =	ssyncadd.s32 $0xFFFFC000  }
0xa4: {  	v2 =	vld [tilespmem:s9+$0x4030]  }
0xa5: {  	v4 =	vld [tilespmem:s9+$0x10030]  }
0xa6: {  	v5 =	vld [tilespmem:s9+$0x4000]  }
0xa7: {  	v6 =	vld [tilespmem:s9+$0x10000]  }
0xa8: {  	v1 =	vld [tilespmem:s9+$0x4010]  }
0xa9: {  	v3 =	vld [tilespmem:s9+$0x10010]  }
0xaa: {  	s30 =	sor.u32 s15, s0;
	v0 =	vld [tilespmem:s9+$0x4020];
	v7 =	vadd.f32 v4, v2  }
0xab: {  	s11 =	simm.s32 $0x40;
	s8 =	sshrl.u32 s30, $0x3;
	v4 =	vld [tilespmem:s9+$0x10020]  }
0xac: {  	s17 =	sadd.s32 s5, s8;
	s8 =	simm.s32 $0x200;
	v2 =	vld [tilespmem:s11+$0x4030];
	v5 =	vadd.f32 v6, v5;
	[tilespmem:s9+$0xC030] =	vst v7  }
.LBB2_9:
0xad: {  	p0 =	sne.s32 s8, $0xFF00;
	v6 =	vld [tilespmem:s11+$0x10030]  }
0xae: {  	v7 =	vld [tilespmem:s11+$0x4000];
	[tilespmem:s9+$0xC000] =	vst v5;
	v3 =	vadd.f32 v3, v1  }
0xaf: {  	v5 =	vld [tilespmem:s11+$0x10000]  }
.Ltmp5:
0xb0: {  	v1 =	vld [tilespmem:s11+$0x4010];
	[tilespmem:s9+$0xC010] =	vst v3;
	v4 =	vadd.f32 v4, v0;
	(pc) =	sbr.rel @p0 .LBB2_9-.Ltmp5, $4  }
0xb1: {  	v3 =	vld [tilespmem:s11+$0x10010]  }
0xb2: {  	v0 =	vld [tilespmem:s11+$0x4020];
	v6 =	vadd.f32 v6, v2;
	[tilespmem:s9+$0xC020] =	vst v4;
	s9 =	smov.u32 s11  }
0xb3: {  	s11 =	sshra.s32 s8, $0x2;
	v4 =	vld [tilespmem:s9+$0x10020]  }
0xb4: {  	s8 =	sadd.s32 $0x100, s8;
	v2 =	vld [tilespmem:s11+$0x4030];
	v5 =	vadd.f32 v5, v7;
	[tilespmem:s9+$0xC030] =	vst v6  }
0xb5: {  	v6 =	vld [tilespmem:s11+$0x10030]  }
0xb6: {  	v7 =	vld [tilespmem:s11+$0x4000];
	[tilespmem:s9+$0xC000] =	vst v5;
	v1 =	vadd.f32 v3, v1  }
0xb7: {  	v3 =	vld [tilespmem:s11+$0x10000]  }
0xb8: {  	v5 =	vld [tilespmem:s11+$0x4010];
	[tilespmem:s9+$0xC010] =	vst v1;
	v0 =	vadd.f32 v4, v0  }
0xb9: {  	v1 =	vld [tilespmem:s11+$0x10010]  }
0xba: {  	v4 =	vld [tilespmem:s11+$0x4020];
	[tilespmem:s9+$0xC020] =	vst v0  }
0xbb: {  	v0 =	vld [tilespmem:s11+$0x10020];
	_ =	sdelay $0x1  }
0xbc: {  	v2 =	vadd.f32 v6, v2  }
0xbd: {  	v3 =	vadd.f32 v3, v7  }
0xbe: {  	[tilespmem:s11+$0xC030] =	vst v2;
	v1 =	vadd.f32 v1, v5  }
0xbf: {  	[tilespmem:s11+$0xC000] =	vst v3;
	v0 =	vadd.f32 v0, v4  }
0xc0: {  	s8 =	sor.u32 s7, s18;
	[tilespmem:s11+$0xC010] =	vst v1  }
0xc1: {  	[tilespmem:s11+$0xC020] =	vst v0;
	s11 =	sshrl.u32 s8, $0x3  }
0xc2: {  	[hbm4b:s17+s3] =	stream.linear.scatter [tilespmem:s25], [sflag:$0x4], $0x4000, $0x38;
	[tilespmem:$0x18000] =	vst v63  }
0xc3: {  	s2 =	sadd.s32 $0x2, s2;
	p0 =	seq.s32 s31, $0x7;
	s8 =	sadd.s32 s1, s11  }
0xc4: {  	[tilespmem:s20], [sflag:$0x2] =	stream.linear.gather [hbm4b:s8+s3], $0x4000, $0x38;
	[tilespmem:$0x18000] =	vst v63  }
0xc5: {  	s8 =	sshll.u32 @!p0 s2, $0xE  }
0xc6: {  	s8 =	sadd.s32 @!p0 s6, s8  }
0xc7: {  	s9 =	sshrl.u32 @!p0 s8, $0x3  }
0xc8: {  	s30 =	simm.s32 @!p0 $0x10000;
	s17 =	simm.s32 @!p0 $0x0;
	s8 =	sadd.s32 @!p0 s4, s9  }
0xc9: {  	[tilespmem:s30], [sflag:$0x5] =	stream.linear.gather @!p0 [hbm4b:s8+s17], $0x4000, $0x38;
	[tilespmem:$0x18000] =	vst v63  }
0xca: {  	_ =	swait.ge [sflag:s21], $0x4000  }
0xcb: {  	[sflag:s21] =	ssyncset.done $0x0  }
0xcc: {  	[sflag:s21] =	ssyncadd.s32 $0xFFFFC000  }
0xcd: {  	_ =	swait.ge [sflag:s29], $0x4000  }
0xce: {  	[sflag:s29] =	ssyncset.done $0x0  }
0xcf: {  	[sflag:s29] =	ssyncadd.s32 $0xFFFFC000  }
0xd0: {  	_ =	swait.ge [sflag:s26], $0x4000  }
0xd1: {  	[sflag:s26] =	ssyncset.done $0x0  }
0xd2: {  	s17 =	simm.s32 $0x0;
	[sflag:s26] =	ssyncadd.s32 $0xFFFFC000  }
0xd3: {  	v2 =	vld [tilespmem:s17+$0x30]  }
0xd4: {  	v4 =	vld [tilespmem:s17+$0x14030]  }
0xd5: {  	v5 =	vld [tilespmem:s17+$0x0]  }
0xd6: {  	v6 =	vld [tilespmem:s17+$0x14000]  }
0xd7: {  	v1 =	vld [tilespmem:s17+$0x10]  }
0xd8: {  	v3 =	vld [tilespmem:s17+$0x14010]  }
0xd9: {  	v0 =	vld [tilespmem:s17+$0x20];
	v7 =	vadd.f32 v4, v2  }
0xda: {  	s8 =	simm.s32 $0x40;
	v4 =	vld [tilespmem:s17+$0x14020]  }
0xdb: {  	s10 =	sadd.s32 s5, s10;
	s30 =	simm.s32 $0x200;
	v2 =	vld [tilespmem:s8+$0x30];
	v5 =	vadd.f32 v6, v5;
	[tilespmem:s17+$0x8030] =	vst v7  }
.LBB2_11:
0xdc: {  	p1 =	sne.s32 s30, $0xFF00;
	v6 =	vld [tilespmem:s8+$0x14030]  }
0xdd: {  	v7 =	vld [tilespmem:s8+$0x0];
	[tilespmem:s17+$0x8000] =	vst v5;
	v3 =	vadd.f32 v3, v1  }
0xde: {  	v5 =	vld [tilespmem:s8+$0x14000]  }
.Ltmp6:
0xdf: {  	v1 =	vld [tilespmem:s8+$0x10];
	[tilespmem:s17+$0x8010] =	vst v3;
	v4 =	vadd.f32 v4, v0;
	(pc) =	sbr.rel @p1 .LBB2_11-.Ltmp6, $4  }
0xe0: {  	v3 =	vld [tilespmem:s8+$0x14010]  }
0xe1: {  	v0 =	vld [tilespmem:s8+$0x20];
	v6 =	vadd.f32 v6, v2;
	[tilespmem:s17+$0x8020] =	vst v4;
	s17 =	smov.u32 s8  }
0xe2: {  	s8 =	sshra.s32 s30, $0x2;
	v4 =	vld [tilespmem:s17+$0x14020]  }
0xe3: {  	s30 =	sadd.s32 $0x100, s30;
	v2 =	vld [tilespmem:s8+$0x30];
	v5 =	vadd.f32 v5, v7;
	[tilespmem:s17+$0x8030] =	vst v6  }
0xe4: {  	v6 =	vld [tilespmem:s8+$0x14030]  }
0xe5: {  	v7 =	vld [tilespmem:s8+$0x0];
	[tilespmem:s17+$0x8000] =	vst v5;
	v1 =	vadd.f32 v3, v1  }
0xe6: {  	v3 =	vld [tilespmem:s8+$0x14000]  }
0xe7: {  	v5 =	vld [tilespmem:s8+$0x10];
	[tilespmem:s17+$0x8010] =	vst v1;
	v0 =	vadd.f32 v4, v0  }
0xe8: {  	v1 =	vld [tilespmem:s8+$0x14010]  }
0xe9: {  	v4 =	vld [tilespmem:s8+$0x20];
	[tilespmem:s17+$0x8020] =	vst v0  }
0xea: {  	v0 =	vld [tilespmem:s8+$0x14020];
	_ =	sdelay $0x1  }
0xeb: {  	v2 =	vadd.f32 v6, v2  }
0xec: {  	v3 =	vadd.f32 v3, v7  }
0xed: {  	[tilespmem:s8+$0x8030] =	vst v2;
	v1 =	vadd.f32 v1, v5  }
0xee: {  	[tilespmem:s8+$0x8000] =	vst v3;
	v0 =	vadd.f32 v0, v4  }
0xef: {  	[tilespmem:s8+$0x8010] =	vst v1  }
0xf0: {  	s17 =	sor.u32 s14, s18;
	[tilespmem:s8+$0x8020] =	vst v0;
	s8 =	simm.s32 $0x0  }
0xf1: {  	[hbm4b:s10+s8] =	stream.linear.scatter [tilespmem:s23], [sflag:$0x3], $0x4000, $0x38;
	[tilespmem:$0x18000] =	vst v63  }
0xf2: {  	s10 =	sshrl.u32 s17, $0x3  }
0xf3: {  	s17 =	sadd.s32 s1, s10  }
0xf4: {  	[tilespmem:s8], [sflag:$0x1] =	stream.linear.gather [hbm4b:s17+s8], $0x4000, $0x38;
	[tilespmem:$0x18000] =	vst v63  }
0xf5: {  	_ =	swait.ge [sflag:s24], $0x4000  }
0xf6: {  	[sflag:s24] =	ssyncset.done $0x0  }
0xf7: {  	[sflag:s24] =	ssyncadd.s32 $0xFFFFC000  }
0xf8: {  	_ =	swait.ge [sflag:s28], $0x4000  }
0xf9: {  	[sflag:s28] =	ssyncset.done $0x0  }
0xfa: {  	s17 =	simm.s32 $0x0;
	[sflag:s28] =	ssyncadd.s32 $0xFFFFC000  }
0xfb: {  	v2 =	vld [tilespmem:s17+$0x4030]  }
0xfc: {  	v4 =	vld [tilespmem:s17+$0x14030]  }
0xfd: {  	v5 =	vld [tilespmem:s17+$0x4000]  }
0xfe: {  	v6 =	vld [tilespmem:s17+$0x14000]  }
0xff: {  	v1 =	vld [tilespmem:s17+$0x4010]  }
0x100: {  	v3 =	vld [tilespmem:s17+$0x14010]  }
0x101: {  	v0 =	vld [tilespmem:s17+$0x4020];
	v7 =	vadd.f32 v4, v2  }
0x102: {  	s8 =	simm.s32 $0x40;
	v4 =	vld [tilespmem:s17+$0x14020]  }
0x103: {  	s11 =	sadd.s32 s5, s11;
	s30 =	simm.s32 $0x200;
	v2 =	vld [tilespmem:s8+$0x4030];
	v5 =	vadd.f32 v6, v5;
	[tilespmem:s17+$0xC030] =	vst v7  }
.LBB2_13:
0x104: {  	p1 =	sne.s32 s30, $0xFF00;
	v6 =	vld [tilespmem:s8+$0x14030]  }
0x105: {  	v7 =	vld [tilespmem:s8+$0x4000];
	[tilespmem:s17+$0xC000] =	vst v5;
	v3 =	vadd.f32 v3, v1  }
0x106: {  	v5 =	vld [tilespmem:s8+$0x14000]  }
.Ltmp7:
0x107: {  	v1 =	vld [tilespmem:s8+$0x4010];
	[tilespmem:s17+$0xC010] =	vst v3;
	v4 =	vadd.f32 v4, v0;
	(pc) =	sbr.rel @p1 .LBB2_13-.Ltmp7, $4  }
0x108: {  	v3 =	vld [tilespmem:s8+$0x14010]  }
0x109: {  	v0 =	vld [tilespmem:s8+$0x4020];
	v6 =	vadd.f32 v6, v2;
	[tilespmem:s17+$0xC020] =	vst v4;
	s17 =	smov.u32 s8  }
0x10a: {  	s8 =	sshra.s32 s30, $0x2;
	v4 =	vld [tilespmem:s17+$0x14020]  }
0x10b: {  	s30 =	sadd.s32 $0x100, s30;
	v2 =	vld [tilespmem:s8+$0x4030];
	v5 =	vadd.f32 v5, v7;
	[tilespmem:s17+$0xC030] =	vst v6  }
0x10c: {  	v6 =	vld [tilespmem:s8+$0x14030]  }
0x10d: {  	v7 =	vld [tilespmem:s8+$0x4000];
	[tilespmem:s17+$0xC000] =	vst v5;
	v1 =	vadd.f32 v3, v1  }
0x10e: {  	v3 =	vld [tilespmem:s8+$0x14000]  }
0x10f: {  	v5 =	vld [tilespmem:s8+$0x4010];
	[tilespmem:s17+$0xC010] =	vst v1;
	v0 =	vadd.f32 v4, v0  }
0x110: {  	v1 =	vld [tilespmem:s8+$0x14010]  }
0x111: {  	v4 =	vld [tilespmem:s8+$0x4020];
	[tilespmem:s17+$0xC020] =	vst v0  }
0x112: {  	v0 =	vld [tilespmem:s8+$0x14020];
	_ =	sdelay $0x1  }
0x113: {  	v2 =	vadd.f32 v6, v2  }
0x114: {  	v3 =	vadd.f32 v3, v7  }
0x115: {  	[tilespmem:s8+$0xC030] =	vst v2;
	v1 =	vadd.f32 v1, v5  }
0x116: {  	[tilespmem:s8+$0xC000] =	vst v3;
	v0 =	vadd.f32 v0, v4  }
0x117: {  	[tilespmem:s8+$0xC010] =	vst v1  }
0x118: {  	s18 =	sor.u32 s15, s18;
	s17 =	simm.s32 $0x0;
	[tilespmem:s8+$0xC020] =	vst v0  }
0x119: {  	[hbm4b:s11+s17] =	stream.linear.scatter [tilespmem:s25], [sflag:$0x4], $0x4000, $0x38;
	[tilespmem:$0x18000] =	vst v63  }
0x11a: {  	s11 =	sshrl.u32 s18, $0x3  }
0x11b: {  	s30 =	sadd.s32 s1, s11  }
0x11c: {  	[tilespmem:s20], [sflag:$0x2] =	stream.linear.gather [hbm4b:s30+s17], $0x4000, $0x38;
	[tilespmem:$0x18000] =	vst v63  }
0x11d: {  	_ =	swait.ge [sflag:s21], $0x4000  }
0x11e: {  	[sflag:s21] =	ssyncset.done $0x0  }
0x11f: {  	[sflag:s21] =	ssyncadd.s32 $0xFFFFC000  }
0x120: {  	_ =	swait.ge [sflag:s26], $0x4000  }
0x121: {  	[sflag:s26] =	ssyncset.done $0x0  }
0x122: {  	s17 =	simm.s32 $0x0;
	[sflag:s26] =	ssyncadd.s32 $0xFFFFC000  }
0x123: {  	v2 =	vld [tilespmem:s17+$0x30]  }
0x124: {  	v4 =	vld [tilespmem:s17+$0x14030]  }
0x125: {  	v5 =	vld [tilespmem:s17+$0x0]  }
0x126: {  	v6 =	vld [tilespmem:s17+$0x14000]  }
0x127: {  	v1 =	vld [tilespmem:s17+$0x10]  }
0x128: {  	v3 =	vld [tilespmem:s17+$0x14010]  }
0x129: {  	v0 =	vld [tilespmem:s17+$0x20];
	v7 =	vadd.f32 v4, v2  }
0x12a: {  	s8 =	simm.s32 $0x40;
	v4 =	vld [tilespmem:s17+$0x14020]  }
0x12b: {  	s10 =	sadd.s32 s5, s10;
	s18 =	simm.s32 $0x200;
	v2 =	vld [tilespmem:s8+$0x30];
	v5 =	vadd.f32 v6, v5;
	[tilespmem:s17+$0x8030] =	vst v7  }
.LBB2_15:
0x12c: {  	p1 =	sne.s32 s18, $0xFF00;
	v6 =	vld [tilespmem:s8+$0x14030]  }
0x12d: {  	v7 =	vld [tilespmem:s8+$0x0];
	[tilespmem:s17+$0x8000] =	vst v5;
	v3 =	vadd.f32 v3, v1  }
0x12e: {  	v5 =	vld [tilespmem:s8+$0x14000]  }
.Ltmp8:
0x12f: {  	v1 =	vld [tilespmem:s8+$0x10];
	[tilespmem:s17+$0x8010] =	vst v3;
	v4 =	vadd.f32 v4, v0;
	(pc) =	sbr.rel @p1 .LBB2_15-.Ltmp8, $4  }
0x130: {  	v3 =	vld [tilespmem:s8+$0x14010]  }
0x131: {  	v0 =	vld [tilespmem:s8+$0x20];
	v6 =	vadd.f32 v6, v2;
	[tilespmem:s17+$0x8020] =	vst v4;
	s17 =	smov.u32 s8  }
0x132: {  	s8 =	sshra.s32 s18, $0x2;
	v4 =	vld [tilespmem:s17+$0x14020]  }
0x133: {  	s18 =	sadd.s32 $0x100, s18;
	v2 =	vld [tilespmem:s8+$0x30];
	v5 =	vadd.f32 v5, v7;
	[tilespmem:s17+$0x8030] =	vst v6  }
0x134: {  	v6 =	vld [tilespmem:s8+$0x14030]  }
0x135: {  	v7 =	vld [tilespmem:s8+$0x0];
	[tilespmem:s17+$0x8000] =	vst v5;
	v1 =	vadd.f32 v3, v1  }
0x136: {  	v3 =	vld [tilespmem:s8+$0x14000]  }
0x137: {  	v5 =	vld [tilespmem:s8+$0x10];
	[tilespmem:s17+$0x8010] =	vst v1;
	v0 =	vadd.f32 v4, v0  }
0x138: {  	v1 =	vld [tilespmem:s8+$0x14010]  }
0x139: {  	v4 =	vld [tilespmem:s8+$0x20];
	[tilespmem:s17+$0x8020] =	vst v0  }
0x13a: {  	v0 =	vld [tilespmem:s8+$0x14020];
	_ =	sdelay $0x1  }
0x13b: {  	v2 =	vadd.f32 v6, v2  }
0x13c: {  	v3 =	vadd.f32 v3, v7  }
0x13d: {  	[tilespmem:s8+$0x8030] =	vst v2;
	v1 =	vadd.f32 v1, v5  }
0x13e: {  	[tilespmem:s8+$0x8000] =	vst v3;
	v0 =	vadd.f32 v0, v4  }
0x13f: {  	[tilespmem:s8+$0x8010] =	vst v1  }
0x140: {  	[tilespmem:s8+$0x8020] =	vst v0  }
0x141: {  	[hbm4b:s10+s3] =	stream.linear.scatter [tilespmem:s23], [sflag:$0x3], $0x4000, $0x38;
	[tilespmem:$0x18000] =	vst v63  }
0x142: {  	s8 =	sadd.s32 @!p0 s1, s9;
	s9 =	simm.s32 @!p0 $0x0  }
0x143: {  	[tilespmem:s9], [sflag:$0x1] =	stream.linear.gather @!p0 [hbm4b:s8+s9], $0x4000, $0x38;
	[tilespmem:$0x18000] =	vst v63  }
0x144: {  	_ =	swait.ge [sflag:s24], $0x4000  }
0x145: {  	[sflag:s24] =	ssyncset.done $0x0  }
0x146: {  	[sflag:s24] =	ssyncadd.s32 $0xFFFFC000  }
0x147: {  	_ =	swait.ge [sflag:s28], $0x4000  }
0x148: {  	[sflag:s28] =	ssyncset.done $0x0  }
0x149: {  	s9 =	simm.s32 $0x0;
	[sflag:s28] =	ssyncadd.s32 $0xFFFFC000  }
0x14a: {  	v2 =	vld [tilespmem:s9+$0x4030]  }
0x14b: {  	v4 =	vld [tilespmem:s9+$0x14030]  }
0x14c: {  	v5 =	vld [tilespmem:s9+$0x4000]  }
0x14d: {  	v6 =	vld [tilespmem:s9+$0x14000]  }
0x14e: {  	v1 =	vld [tilespmem:s9+$0x4010]  }
0x14f: {  	v3 =	vld [tilespmem:s9+$0x14010]  }
0x150: {  	v0 =	vld [tilespmem:s9+$0x4020];
	v7 =	vadd.f32 v4, v2  }
0x151: {  	s8 =	simm.s32 $0x40;
	v4 =	vld [tilespmem:s9+$0x14020]  }
0x152: {  	s10 =	sadd.s32 s5, s11;
	s11 =	simm.s32 $0x200;
	v2 =	vld [tilespmem:s8+$0x4030];
	v5 =	vadd.f32 v6, v5;
	[tilespmem:s9+$0xC030] =	vst v7  }
.LBB2_17:
0x153: {  	p1 =	sne.s32 s11, $0xFF00;
	v6 =	vld [tilespmem:s8+$0x14030]  }
0x154: {  	v7 =	vld [tilespmem:s8+$0x4000];
	[tilespmem:s9+$0xC000] =	vst v5;
	v3 =	vadd.f32 v3, v1  }
0x155: {  	v5 =	vld [tilespmem:s8+$0x14000]  }
.Ltmp9:
0x156: {  	v1 =	vld [tilespmem:s8+$0x4010];
	[tilespmem:s9+$0xC010] =	vst v3;
	v4 =	vadd.f32 v4, v0;
	(pc) =	sbr.rel @p1 .LBB2_17-.Ltmp9, $4  }
0x157: {  	v3 =	vld [tilespmem:s8+$0x14010]  }
0x158: {  	v0 =	vld [tilespmem:s8+$0x4020];
	v6 =	vadd.f32 v6, v2;
	[tilespmem:s9+$0xC020] =	vst v4;
	s9 =	smov.u32 s8  }
0x159: {  	s8 =	sshra.s32 s11, $0x2;
	v4 =	vld [tilespmem:s9+$0x14020]  }
0x15a: {  	s11 =	sadd.s32 $0x100, s11;
	v2 =	vld [tilespmem:s8+$0x4030];
	v5 =	vadd.f32 v5, v7;
	[tilespmem:s9+$0xC030] =	vst v6  }
0x15b: {  	v6 =	vld [tilespmem:s8+$0x14030]  }
0x15c: {  	v7 =	vld [tilespmem:s8+$0x4000];
	[tilespmem:s9+$0xC000] =	vst v5;
	v1 =	vadd.f32 v3, v1  }
0x15d: {  	v62 =	vld [tilespmem:s8+$0x14000]  }
0x15e: {  	v5 =	vld [tilespmem:s8+$0x4010];
	[tilespmem:s9+$0xC010] =	vst v1;
	v0 =	vadd.f32 v4, v0  }
0x15f: {  	v1 =	vld [tilespmem:s8+$0x14010]  }
0x160: {  	v63 =	vld [tilespmem:s8+$0x4020];
	[tilespmem:s9+$0xC020] =	vst v0  }
0x161: {  	v0 =	vld [tilespmem:s8+$0x14020];
	_ =	sdelay $0x1  }
0x162: {  	v2 =	vadd.f32 v6, v2  }
0x163: {  	v3 =	vadd.f32 v62, v7  }
.Ltmp10:
0x164: {  	[tilespmem:s8+$0xC030] =	vst v2;
	v1 =	vadd.f32 v1, v5;
	(pc) =	sbr.rel @p0 .LBB2_20-.Ltmp10, $4  }
0x165: {  	[tilespmem:s8+$0xC000] =	vst v3;
	v0 =	vadd.f32 v0, v63  }
0x166: {  	[tilespmem:s8+$0xC010] =	vst v1  }
0x167: {  	[tilespmem:s8+$0xC020] =	vst v0  }
0x168: {  	[hbm4b:s10+s3] =	stream.linear.scatter [tilespmem:s25], [sflag:$0x4], $0x4000, $0x38;
	[tilespmem:$0x18000] =	vst v63  }
0x169: {  	s2 =	sshll.u32 s2, $0xE  }
0x16a: {  	s2 =	sadd.s32 s7, s2  }
.Ltmp11:
0x16b: {  	s0 =	sadd.s32 s0, s16;
	s2 =	sshrl.u32 s2, $0x3;
	(pc) =	sbr.rel .LBB2_2-.Ltmp11, $4  }
0x16c: {  	s0 =	sshrl.u32 s0, $0x3;
	s2 =	sadd.s32 s1, s2  }
0x16d: {  	[tilespmem:s20], [sflag:$0x2] =	stream.linear.gather [hbm4b:s2+s3], $0x4000, $0x38;
	[tilespmem:$0x18000] =	vst v63  }
0x16e: {  	s31 =	sadd.s32 $0x1, s31;
	s0 =	sadd.s32 s4, s0  }
0x16f: {  	[tilespmem:s19], [sflag:$0x6] =	stream.linear.gather [hbm4b:s0+s3], $0x4000, $0x38;
	[tilespmem:$0x18000] =	vst v63  }
.LBB2_21:
0x170: {  	_ =	sfence.sel $0x180000  }
0x171: {  	[bflag:$0x0] =	sbarrier.arrive $0xFFFF  }
0x172: {  	_ =	strace $0x9000004D  }
0x173: {  	s0 =	stileid.u32;
	[bflag:$0x2] =	sbarrier.arrive $0xFFFF  }
0x174: {  	p0 =	sne.s32 s0, $0x0;
	s0 =	rddreg [dreg:$0x2]  }
0x175: {  	s0 =	sadd.s32 @!p0 $0x100000, s0  }
0x176: {  	[sflag:s0] =	ssyncadd.tile.s32 @!p0 $0x1;
	_ =	shalt  }
.Lfunc_end2:
_tile_overlayer_lowered:
.L_overlay_start_2:
0x177: {  	(tag) =	ssettag $0x2  }
0x178: {  	s0 =	rddreg [dreg:$0x0];
	s2 =	stileid.u32  }
0x179: {  	s1 =	rddreg [dreg:$0x1];
	p0 =	sne.s32 s2, $0x0  }
0x17a: {  	s3 =	rddreg [dreg:$0x2];
	[bflag:$0x3] =	sbarrier.arrive $0xFFFF;
	s2 =	simm.s32 @!p0 $0x1C07  }
0x17b: {  	[timem:s3], [sflag:s2] =	dma.local @!p0 [hbm:s0], s1  }
0x17c: {  	s0 =	simm.s32 @!p0 $0x7  }
0x17d: {  	_ =	swait.ge @!p0 [sflag:s0], s1  }
0x17e: {  	s1 =	ssub.s32 @!p0 $0x0, s1;
	[sflag:s0] =	ssyncset.done @!p0 $0x0  }
0x17f: {  	[sflag:s0] =	ssyncadd.s32 @!p0 s1  }
0x180: {  	[bflag:$0x3] =	sbarrier.arrive $0xFFFF  }
0x181: {  	_ =	shalt  }

// kernel: sparse-core-data-format-call.1.cloned.1.call-start
scs
called_computation.1_lowered:
.L_overlay_start_0:
0x0: {  	s2 =	sld [smem:$0x3FD9]  }
0x1: {  	s3 =	sld [smem:$0x3FFE];
	_ =	sdelay $0x1  }
0x2: {  	s1 =	srdreg.scid  }
0x3: {  	s0 =	sand.u32 $0x1, s1  }
0x4: {  	s19 =	sshll.u32 s0, $0xA;
	s2 =	sadd.s32 s3, s2  }
0x5: {  	s2 =	sadd.s32 s2, s19  }
0x6: {  	[smem:$0x3FC6] =	sst s2  }
0x7: {  	_ = 	snop  }
0x8: {  	s20 =	sld [smem:$0x3FC9]  }
0x9: {  	s4 =	sld [smem:$0x3FD0];
	(tm) =	ssettm $0x1  }
0xa: {  	s21 =	sld [smem:$0x3FFB];
	_ =	sdelay $0x3  }
0xb: {  	_ =	strace s21  }
0xc: {  	s2 =	sld [smem:$0x3FFC];
	_ =	sdelay $0x3  }
0xd: {  	_ =	strace s2  }
0xe: {  	s2 =	sld [smem:$0x3FFD];
	_ =	sdelay $0x3  }
0xf: {  	_ =	strace s2  }
0x10: {  	_ =	strace $0x8FFFFFFF  }
0x11: {  	s22 =	sld [smem:$0x3FDB];
	_ =	sdelay $0x1  }
0x12: {  	s5 =	simm.s32 $_scs_section_size  }
0x13: {  	s6 =	simm.s32 $_size__tile_overlayer_lowered;
	s7 =	simm.s32 $_tile_overlayer_lowered  }
0x14: {  	s8 =	simm.s32 $0x1BFF;
	s23 =	sshll.u32 s7, $0x1;
	s5 =	sadd.s32 s5, s22  }
0x15: {  	s24 =	simm.s32 $0x0;
	s6 =	sshll.u32 s6, $0x1;
	s7 =	sadd.s32 s23, s5  }
0x16: {  	[timem:s24], [sflag:s8] =	dma.local [hbm:s7], s6  }
0x17: {  	_ =	swait.ge [sflag:s8], s6  }
0x18: {  	s6 =	ssub.s32 $0x0, s6;
	[sflag:s8] =	ssyncset.done $0x0  }
0x19: {  	[sflag:s8] =	ssyncadd.s32 s6;
	_ =	sdelay $0x1  }
0x1a: {  	s25 =	simm.s32 $0x1B8B  }
0x1b: {  	_ =	swait.ge [sflag:s25], $0x1  }
0x1c: {  	[sflag:s25] =	ssyncset.done $0x0  }
0x1d: {  	[sflag:s25] =	ssyncadd.s32 $0xFFFFFFFF  }
0x1e: {  	s6 =	sld [smem:$0x0]  }
0x1f: {  	s7 =	sand.u32 $0xFFFFFFFE, s1  }
0x20: {  	p0 =	sne.s32 s1, s7  }
0x21: {  	s7 =	sshll.u32 @p0 s7, $0xE  }
0x22: {  	s7 =	sadd.s32 @p0 $0x11B8D, s7;
	s8 =	sshll.u32 @p0 s6, $0x11  }
0x23: {  	s7 =	sor.u32 @p0 s8, s7  }
0x24: {  	[sflag:s7] =	ssyncadd.remote.s32 @p0 $0x1;
	_ =	sdelay $0x1  }
0x25: {  	s7 =	simm.s32 @p0 $0x1B8D  }
0x26: {  	_ =	swait.eq @p0 [sflag:s7], $0x1  }
0x27: {  	[sflag:s7] =	ssyncadd.s32 @p0 $0xFFFFFFFF  }
0x28: {  	s8 =	sshll.u32 @!p0 s1, $0xE  }
0x29: {  	s8 =	sor.u32 @!p0 $0x4000, s8;
	s7 =	simm.s32 @!p0 $0x1B8D  }
0x2a: {  	s6 =	sshll.u32 @!p0 s6, $0x11;
	s8 =	sadd.s32 @!p0 $0x11B8D, s8;
	_ =	swait.eq @!p0 [sflag:s7], $0x1  }
0x2b: {  	s6 =	sor.u32 @!p0 s6, s8;
	[sflag:s7] =	ssyncadd.s32 @!p0 $0xFFFFFFFF  }
0x2c: {  	s26 =	simm.s32 $0x1B8E;
	[sflag:s6] =	ssyncadd.remote.s32 @!p0 $0x1  }
0x2d: {  	s27 =	simm.s32 $execute0_lowered;
	[smem:$0x3FD2] =	sst s26  }
0x2e: {  	s6 =	sshll.u32 s27, $0x1;
	_ =	strace $0x80000049;
	[dreg:$0x1] =	wrdreg $0xFFFFFFFF  }
0x2f: {  	s28 =	simm.s32 $_size_execute0_lowered;
	s5 =	sadd.s32 s5, s6;
	[dreg:$0x0] =	wrdreg $0x0  }
0x30: {  	s6 =	sshll.u32 s28, $0x1;
	[dreg:$0x2] =	wrdreg s5  }
0x31: {  	[dreg:$0x3] =	wrdreg s6  }
0x32: {  	[dreg:$0x4] =	wrdreg $0xC0  }
0x33: {  	_ =	task [dreg:s24], $0x5FFFF  }
0x34: {  	[dreg:$0x1] =	wrdreg $0xFFFFFFFF  }
0x35: {  	[dreg:$0x0] =	wrdreg $0x60  }
0x36: {  	[dreg:$0x2] =	wrdreg s20  }
0x37: {  	[dreg:$0x3] =	wrdreg s4  }
0x38: {  	[dreg:$0x4] =	wrdreg $0xA  }
0x39: {  	_ =	task.clear_ibuf [dreg:s24], $0x5FFFF;
	_ =	strace $0x90000049  }
0x3a: {  	s29 =	simm.s32 $0xA;
	_ =	strace $0x8000004B  }
0x3b: {  	_ =	swait.ge [sflag:s29], $0x1  }
0x3c: {  	[sflag:s29] =	ssyncadd.s32 $0xFFFFFFFF  }
0x3d: {  	_ =	strace $0x9000004B  }
0x3e: {  	_ =	sfence  }
0x3f: {  	s30 =	sld [smem:$0x0];
	_ =	sdelay $0x2  }
0x40: {  	s31 =	sshll.u32 s1, $0xD;
	s1 =	sshrl.u32 s1, $0x2  }
0x41: {  	s4 =	sand.u32 $0x4000, s31;
	s1 =	sadd.s32 s1, s30  }
0x42: {  	s0 =	sor.u32 s4, s0;
	s1 =	sshll.u32 s1, $0x11  }
0x43: {  	s0 =	sor.u32 s1, s0  }
0x44: {  	s0 =	sadd.s32 $0x8F2B, s0  }
0x45: {  	[sflag:s0] =	ssyncadd.remote.s32 $0x1  }
0x46: {  	_ =	sfence.sel $0xFFFF  }
0x47: {  	[dreg:$0x0] =	wrdreg $0xFFFFFFFF;
	(pc) =	sbr.abs _section_cstart, $3  }
0x48: {  	[dreg:$0x1] =	wrdreg $0xFFFFFFFF  }
0x49: {  	_ =	task.clear_ibuf [dreg:s24], $0x2FFFF;
	_ =	strace $0x9FFFFFFF  }
0x4a: {  	(tm) =	ssettm $0x7FFFFFFF  }
0x4b: {  	_ =	shalt  }
tec
execute0_lowered:
.L_overlay_start_1:
0x0: {  	(tag) =	ssettag $0x1  }
0x1: {  	s0 =	srdreg.scid  }
0x2: {  	s1 =	sshll.u32 s0, $0x4  }
0x3: {  	s2 =	rddreg [dreg:$0x0];
	s0 =	stileid.u32;
	s1 =	sand.u32 $0x10, s1  }
0x4: {  	s4 =	rddreg [dreg:$0x1];
	s1 =	sor.u32 s0, s1  }
0x5: {  	s7 =	simm.s32 $0x1;
	s8 =	simm.s32 $0x2;
	s3 =	sshll.u32 s1, $0x1  }
0x6: {  	s9 =	simm.s32 $0x0;
	s12 =	simm.s32 $0x0;
	s6 =	ssub.s32 $0x1000, s3  }
.Ltmp0:
0x7: {  	s11 =	simm.s32 $0x0;
	s5 =	sand.u32 $0x3E, s6;
	(pc) =	sbr.rel .LBB1_1-.Ltmp0, $4  }
0x8: {  	s1 =	rddreg [dreg:$0x2];
	_ =	strace $0x8000004A;
	p0 =	sne.s32 s5, $0x0  }
0x9: {  	s6 =	sshrl.u32 s6, $0x6;
	s5 =	simm.s32 $0x1;
	s7 =	simm.s32 @!p0 $0x0  }
0xa: {  	s10 =	smov.u32 s3;
	[sflag:s5] =	ssyncpa.u1 $0x0;
	s6 =	sadd.s32 s7, s6  }
0xb: {  	[sflag:s8] =	ssyncpa.u1 $0x0;
	s8 =	simm.s32 $0x0;
	s7 =	sadd.s32 $0x1, s6  }
.LBB1_9:
0xc: {  	s14 =	sadd.s32 $0x40, s10  }
0xd: {  	p1 =	sgt.s32 s14, $0xFFF  }
0xe: {  	s14 =	smov.u32 @p1 s3;
	p1 =	sne.s32 s11, s7  }
.Ltmp1:
0xf: {  	p0 =	slt.u32 s11, $0x2;
	(pc) =	sbr.rel @!p1 .LBB1_10-.Ltmp1, $4  }
0x10: {  	s13 =	simm.s32 @!p0 $0x2  }
0x11: {  	s15 =	sadd.s32 $0x1, s11;
	_ =	swait.ge @!p0 [sflag:s13], $0x4000  }
0x12: {  	s12 =	smov.u32 s10;
	s9 =	sadd.s32 $0x4000, s9;
	[sflag:s13] =	ssyncset.done @!p0 $0x0  }
0x13: {  	s11 =	smov.u32 s15;
	s10 =	smov.u32 s14;
	[sflag:s13] =	ssyncadd.s32 @!p0 $0xFFFFC000  }
.LBB1_1:
0x14: {  	p0 =	sge.u32 s11, s6  }
0x15: {  	s13 =	sxor.u32 @!p0 $0xFFFFFFFF, s11  }
0x16: {  	s31 =	sadd.s32 $0xFFFFFFFF, s11;
	s14 =	sshll.u32 @!p0 s10, $0xA;
	s13 =	sshll.u32 @!p0 s13, $0xE  }
0x17: {  	s15 =	simm.s32 @!p0 $0x0;
	s14 =	sadd.s32 @!p0 s2, s14;
	s13 =	sand.u32 @!p0 $0x4000, s13  }
0x18: {  	[tilespmem:s13], [sflag:$0x1] =	stream.linear.gather @!p0 [hbm4b:s14+s15], $0x4000, $0x38;
	[tilespmem:$0x10000] =	vst v63  }
0x19: {  	p0 =	sge.u32 s31, s6  }
.Ltmp2:
0x1a: {  	_ = 	snop;
	(pc) =	sbr.rel @p0 .LBB1_9-.Ltmp2, $1  }
0x1b: {  	_ =	sdelay $0x3  }
0x1c: {  	s13 =	sshll.u32 s9, $0x2  }
0x1d: {  	_ =	swait.ge [sflag:s5], $0x4000;
	s14 =	sshll.u32 s11, $0xE;
	s16 =	simm.s32 $0x0  }
0x1e: {  	p1 =	por $0x1, $0x1;
	s13 =	sand.u32 $0x10000, s13;
	[sflag:s5] =	ssyncset.done $0x0  }
0x1f: {  	s14 =	sand.u32 $0x4000, s14;
	s15 =	sshrl.u32 s13, $0x2;
	[sflag:s5] =	ssyncadd.s32 $0xFFFFC000  }
0x20: {  	s13 =	sor.u32 $0x8000, s14;
	s14 =	sadd.s32 $0x8040, s15;
	s15 =	sadd.s32 $0x40, s15  }
.LBB1_3:
0x21: {  	s16 =	sshll.u32 s16, $0x2  }
0x22: {  	p0 =	por p1, p1;
	s17 =	sshra.s32 s16, $0x2  }
0x23: {  	s18 =	simm.s32 $0x0;
	s16 =	sadd.s32 s17, s14;
	s17 =	sadd.s32 s17, s15  }
.LBB1_4:
0x24: {  	v0 =	vmov s17;
	_ =	sdelay $0x3  }
0x25: {  	s20 =	simm.s32 $0x0  }
0x26: {  	v6 =	vld.idx.msk [tilespmem:v0+s20+$0x30 ss:$0x1], $0xffff  }
0x27: {  	v7 =	vld.idx.msk [tilespmem:v0+s20+$0xFFFFFFC0 ss:$0x1], $0xffff  }
0x28: {  	v5 =	vld.idx.msk [tilespmem:v0+s20+$0xFFFFFFD0 ss:$0x1], $0xffff  }
0x29: {  	v4 =	vld.idx.msk [tilespmem:v0+s20+$0xFFFFFFE0 ss:$0x1], $0xffff  }
0x2a: {  	v3 =	vld.idx.msk [tilespmem:v0+s20+$0xFFFFFFF0 ss:$0x1], $0xffff  }
0x2b: {  	v1 =	vld.idx.msk [tilespmem:v0+s20+$0x0 ss:$0x1], $0xffff  }
0x2c: {  	v2 =	vld.idx.msk [tilespmem:v0+s20+$0x10 ss:$0x1], $0xffff;
	[tilespmem:s16+$0x30] =	vst v6  }
0x2d: {  	s19 =	simm.s32 $0x80;
	s21 =	simm.s32 $0x400;
	[tilespmem:s16+$0xFFFFFFC0] =	vst v7;
	v6 =	vld.idx.msk [tilespmem:v0+s20+$0x20 ss:$0x1], $0xffff;
	s20 =	smov.u32 s16  }
.LBB1_5:
0x2e: {  	p1 =	sne.s32 s21, $0xE00;
	v7 =	vld.idx.msk [tilespmem:v0+s19+$0x30 ss:$0x1], $0xffff;
	[tilespmem:s20+$0xFFFFFFD0] =	vst v5  }
0x2f: {  	v8 =	vld.idx.msk [tilespmem:v0+s19+$0xFFFFFFC0 ss:$0x1], $0xffff;
	[tilespmem:s20+$0xFFFFFFE0] =	vst v4  }
0x30: {  	v5 =	vld.idx.msk [tilespmem:v0+s19+$0xFFFFFFD0 ss:$0x1], $0xffff;
	[tilespmem:s20+$0xFFFFFFF0] =	vst v3  }
.Ltmp3:
0x31: {  	v4 =	vld.idx.msk [tilespmem:v0+s19+$0xFFFFFFE0 ss:$0x1], $0xffff;
	[tilespmem:s20+$0x0] =	vst v1;
	(pc) =	sbr.rel @p1 .LBB1_5-.Ltmp3, $4  }
0x32: {  	v3 =	vld.idx.msk [tilespmem:v0+s19+$0xFFFFFFF0 ss:$0x1], $0xffff;
	[tilespmem:s20+$0x10] =	vst v2  }
0x33: {  	v1 =	vld.idx.msk [tilespmem:v0+s19+$0x0 ss:$0x1], $0xffff;
	[tilespmem:s20+$0x20] =	vst v6;
	s20 =	sadd.s32 $0x400, s20  }
0x34: {  	v2 =	vld.idx.msk [tilespmem:v0+s19+$0x10 ss:$0x1], $0xffff;
	[tilespmem:s20+$0x30] =	vst v7  }
0x35: {  	[tilespmem:s20+$0xFFFFFFC0] =	vst v8;
	v6 =	vld.idx.msk [tilespmem:v0+s19+$0x20 ss:$0x1], $0xffff;
	s19 =	sshra.s32 s21, $0x2;
	s21 =	sadd.s32 $0x200, s21  }
0x36: {  	_ =	sdelay $0x2  }
0x37: {  	[tilespmem:s20+$0xFFFFFFD0] =	vst v5  }
0x38: {  	v56 =	vld.idx.msk [tilespmem:v0+s19+$0x30 ss:$0x1], $0xffff;
	[tilespmem:s20+$0xFFFFFFE0] =	vst v4  }
0x39: {  	v57 =	vld.idx.msk [tilespmem:v0+s19+$0xFFFFFFC0 ss:$0x1], $0xffff;
	[tilespmem:s20+$0xFFFFFFF0] =	vst v3  }
0x3a: {  	v58 =	vld.idx.msk [tilespmem:v0+s19+$0xFFFFFFD0 ss:$0x1], $0xffff;
	[tilespmem:s20+$0x0] =	vst v1  }
0x3b: {  	v59 =	vld.idx.msk [tilespmem:v0+s19+$0xFFFFFFE0 ss:$0x1], $0xffff;
	[tilespmem:s20+$0x10] =	vst v2  }
0x3c: {  	v60 =	vld.idx.msk [tilespmem:v0+s19+$0xFFFFFFF0 ss:$0x1], $0xffff;
	s31 =	sadd.s32 $0x400, s20;
	[tilespmem:s20+$0x20] =	vst v6  }
0x3d: {  	v61 =	vld.idx.msk [tilespmem:v0+s19+$0x0 ss:$0x1], $0xffff;
	[tilespmem:s31+$0x30] =	vst v56  }
0x3e: {  	v62 =	vld.idx.msk [tilespmem:v0+s19+$0x10 ss:$0x1], $0xffff;
	s18 =	sadd.s32 $0x1, s18;
	[tilespmem:s31+$0xFFFFFFC0] =	vst v57  }
0x3f: {  	v63 =	vld.idx.msk [tilespmem:v0+s19+$0x20 ss:$0x1], $0xffff;
	p1 =	sne.s32 s18, $0x8;
	[tilespmem:s31+$0xFFFFFFD0] =	vst v58  }
.Ltmp4:
0x40: {  	[tilespmem:s31+$0xFFFFFFE0] =	vst v59;
	(pc) =	sbr.rel @p1 .LBB1_4-.Ltmp4, $4  }
0x41: {  	[tilespmem:s31+$0xFFFFFFF0] =	vst v60  }
0x42: {  	[tilespmem:s31+$0x0] =	vst v61  }
0x43: {  	[tilespmem:s31+$0x10] =	vst v62  }
0x44: {  	s16 =	sadd.s32 $0x80, s16;
	s17 =	sadd.s32 $0x400, s17;
	[tilespmem:s31+$0x20] =	vst v63  }
.Ltmp5:
0x45: {  	(pc) =	sbr.rel @p0 .LBB1_3-.Ltmp5, $2  }
0x46: {  	_ =	sdelay $0x2  }
0x47: {  	s16 =	simm.s32 $0x2000;
	p1 =	por $0x0, $0x0  }
.Ltmp6:
0x48: {  	(pc) =	sbr.rel .LBB1_9-.Ltmp6, $4  }
0x49: {  	_ = 	snop  }
0x4a: {  	s12 =	sshll.u32 s12, $0xA  }
0x4b: {  	s12 =	sadd.s32 s4, s12  }
0x4c: {  	[hbm4b:s12+s8] =	stream.linear.scatter [tilespmem:s13], [sflag:$0x2], $0x4000, $0x38;
	[tilespmem:$0x10000] =	vst v63  }
.LBB1_10:
0x4d: {  	_ =	sfence.sel $0x180000  }
0x4e: {  	s2 =	simm.s32 $0x1;
	[bflag:$0x0] =	sbarrier.arrive $0xFFFF  }
0x4f: {  	s31 =	simm.s32 $0x2;
	[sflag:s2] =	ssyncpa.u1 $0x1  }
0x50: {  	[sflag:s31] =	ssyncpa.u1 $0x1  }
0x51: {  	p0 =	sne.s32 s0, $0x0;
	_ =	strace $0x9000004A  }
0x52: {  	s0 =	sadd.s32 @!p0 $0x100000, s1;
	[bflag:$0x2] =	sbarrier.arrive $0xFFFF  }
0x53: {  	[sflag:s0] =	ssyncadd.tile.s32 @!p0 $0x1;
	_ =	shalt  }
.Lfunc_end1:
_tile_overlayer_lowered:
.L_overlay_start_2:
0x54: {  	(tag) =	ssettag $0x2  }
0x55: {  	s0 =	rddreg [dreg:$0x0];
	s2 =	stileid.u32  }
0x56: {  	s1 =	rddreg [dreg:$0x1];
	p0 =	sne.s32 s2, $0x0  }
0x57: {  	s3 =	rddreg [dreg:$0x2];
	[bflag:$0x3] =	sbarrier.arrive $0xFFFF;
	s2 =	simm.s32 @!p0 $0x1C01  }
0x58: {  	[timem:s3], [sflag:s2] =	dma.local @!p0 [hbm:s0], s1  }
0x59: {  	s0 =	simm.s32 @!p0 $0x1  }
0x5a: {  	_ =	swait.ge @!p0 [sflag:s0], s1  }
0x5b: {  	s1 =	ssub.s32 @!p0 $0x0, s1;
	[sflag:s0] =	ssyncset.done @!p0 $0x0  }
0x5c: {  	[sflag:s0] =	ssyncadd.s32 @!p0 s1  }
0x5d: {  	[bflag:$0x3] =	sbarrier.arrive $0xFFFF  }
0x5e: {  	_ =	shalt  }

// kernel: sparse-core-data-format-call.cloned.1.call-start
scs
called_computation_lowered:
.L_overlay_start_0:
0x0: {  	s2 =	sld [smem:$0x3FD9]  }
0x1: {  	s3 =	sld [smem:$0x3FFE];
	_ =	sdelay $0x1  }
0x2: {  	s1 =	srdreg.scid  }
0x3: {  	s0 =	sand.u32 $0x1, s1  }
0x4: {  	s18 =	sshll.u32 s0, $0xA;
	s2 =	sadd.s32 s3, s2  }
0x5: {  	s2 =	sadd.s32 s2, s18  }
0x6: {  	[smem:$0x3FC6] =	sst s2  }
0x7: {  	_ = 	snop  }
0x8: {  	s2 =	sld [smem:$0x3FC8];
	(tm) =	ssettm $0x1  }
0x9: {  	s19 =	sld [smem:$0x3FFB];
	_ =	sdelay $0x3  }
0xa: {  	_ =	strace s19  }
0xb: {  	s3 =	sld [smem:$0x3FFC];
	_ =	sdelay $0x3  }
0xc: {  	_ =	strace s3  }
0xd: {  	s3 =	sld [smem:$0x3FFD];
	_ =	sdelay $0x3  }
0xe: {  	_ =	strace s3  }
0xf: {  	_ =	strace $0x8FFFFFFF  }
0x10: {  	s20 =	sld [smem:$0x3FDB];
	_ =	sdelay $0x1  }
0x11: {  	s4 =	simm.s32 $_scs_section_size  }
0x12: {  	s5 =	simm.s32 $_size__tile_overlayer_lowered;
	s6 =	simm.s32 $_tile_overlayer_lowered  }
0x13: {  	s23 =	simm.s32 $0x1BFF;
	s22 =	sshll.u32 s6, $0x1;
	s3 =	sadd.s32 s4, s20  }
0x14: {  	s7 =	simm.s32 $0x0;
	s21 =	sshll.u32 s5, $0x1;
	s5 =	sadd.s32 s22, s3  }
0x15: {  	[timem:s7], [sflag:s23] =	dma.local [hbm:s5], s21  }
0x16: {  	_ =	swait.ge [sflag:s23], s21  }
0x17: {  	s4 =	ssub.s32 $0x0, s21;
	[sflag:s23] =	ssyncset.done $0x0  }
0x18: {  	[sflag:s23] =	ssyncadd.s32 s4;
	_ =	sdelay $0x1  }
0x19: {  	s24 =	simm.s32 $0x1B8B  }
0x1a: {  	_ =	swait.ge [sflag:s24], $0x1  }
0x1b: {  	[sflag:s24] =	ssyncset.done $0x0  }
0x1c: {  	s26 =	simm.s32 $0x1B8E;
	s25 =	sld [smem:$0x3FFE];
	[sflag:s24] =	ssyncadd.s32 $0xFFFFFFFF  }
0x1d: {  	s27 =	simm.s32 $execute0_lowered;
	[smem:$0x3FD2] =	sst s26  }
0x1e: {  	s5 =	sshll.u32 s27, $0x1;
	_ =	strace $0x80000046;
	[dreg:$0x1] =	wrdreg $0xFFFFFFFF  }
0x1f: {  	s28 =	simm.s32 $_size_execute0_lowered;
	s3 =	sadd.s32 s3, s5;
	[dreg:$0x0] =	wrdreg $0x0  }
0x20: {  	s5 =	sshll.u32 s28, $0x1;
	[dreg:$0x2] =	wrdreg s3  }
0x21: {  	[dreg:$0x3] =	wrdreg s5  }
0x22: {  	[dreg:$0x4] =	wrdreg $0xC0  }
0x23: {  	_ =	task [dreg:s7], $0x5FFFF  }
0x24: {  	[dreg:$0x1] =	wrdreg $0xFFFFFFFF  }
0x25: {  	[dreg:$0x0] =	wrdreg $0x60  }
0x26: {  	[dreg:$0x2] =	wrdreg s2  }
0x27: {  	[dreg:$0x3] =	wrdreg s25  }
0x28: {  	[dreg:$0x4] =	wrdreg $0x9  }
0x29: {  	_ =	task.clear_ibuf [dreg:s7], $0x5FFFF;
	_ =	strace $0x90000046  }
0x2a: {  	s29 =	simm.s32 $0x9;
	_ =	strace $0x80000048  }
0x2b: {  	_ =	swait.ge [sflag:s29], $0x1  }
0x2c: {  	[sflag:s29] =	ssyncadd.s32 $0xFFFFFFFF  }
0x2d: {  	_ =	strace $0x90000048  }
0x2e: {  	_ =	sfence  }
0x2f: {  	s30 =	sld [smem:$0x0];
	_ =	sdelay $0x2  }
0x30: {  	s31 =	sshll.u32 s1, $0xD;
	s1 =	sshrl.u32 s1, $0x2  }
0x31: {  	s3 =	sand.u32 $0x4000, s31;
	s1 =	sadd.s32 s1, s30  }
0x32: {  	s0 =	sor.u32 s3, s0;
	s1 =	sshll.u32 s1, $0x11  }
0x33: {  	s0 =	sor.u32 s1, s0  }
0x34: {  	s0 =	sadd.s32 $0x8F2B, s0  }
0x35: {  	[sflag:s0] =	ssyncadd.remote.s32 $0x1  }
0x36: {  	_ =	sfence.sel $0xFFFF  }
0x37: {  	[dreg:$0x0] =	wrdreg $0xFFFFFFFF;
	(pc) =	sbr.abs _section_cstart, $3  }
0x38: {  	[dreg:$0x1] =	wrdreg $0xFFFFFFFF  }
0x39: {  	_ =	task.clear_ibuf [dreg:s7], $0x2FFFF;
	_ =	strace $0x9FFFFFFF  }
0x3a: {  	(tm) =	ssettm $0x7FFFFFFF  }
0x3b: {  	_ =	shalt  }
tec
execute0_lowered:
.L_overlay_start_1:
0x0: {  	(tag) =	ssettag $0x1  }
0x1: {  	s0 =	srdreg.scid  }
0x2: {  	s1 =	sshll.u32 s0, $0x4  }
0x3: {  	s2 =	rddreg [dreg:$0x0];
	s0 =	stileid.u32;
	s1 =	sand.u32 $0x10, s1  }
0x4: {  	s4 =	rddreg [dreg:$0x1];
	s7 =	simm.s32 $0x1;
	s1 =	sor.u32 s0, s1  }
0x5: {  	s8 =	simm.s32 $0x2;
	s9 =	simm.s32 $0x0;
	s3 =	sshll.u32 s1, $0x1  }
0x6: {  	s12 =	simm.s32 $0x0;
	s11 =	simm.s32 $0x0;
	s6 =	ssub.s32 $0x400, s3  }
.Ltmp0:
0x7: {  	s4 =	sadd.s32 $0xC00, s4;
	s5 =	sand.u32 $0x3E, s6;
	(pc) =	sbr.rel .LBB1_1-.Ltmp0, $4  }
0x8: {  	s1 =	rddreg [dreg:$0x2];
	_ =	strace $0x80000047;
	p0 =	sne.s32 s5, $0x0  }
0x9: {  	s6 =	sshrl.u32 s6, $0x6;
	s5 =	simm.s32 $0x1;
	s7 =	simm.s32 @!p0 $0x0  }
0xa: {  	s10 =	smov.u32 s3;
	[sflag:s5] =	ssyncpa.u1 $0x0;
	s6 =	sadd.s32 s7, s6  }
0xb: {  	[sflag:s8] =	ssyncpa.u1 $0x0;
	s8 =	simm.s32 $0x0;
	s7 =	sadd.s32 $0x1, s6  }
.LBB1_9:
0xc: {  	s14 =	sadd.s32 $0x40, s10  }
0xd: {  	p1 =	sgt.s32 s14, $0x3FF  }
0xe: {  	s14 =	smov.u32 @p1 s3;
	p1 =	sne.s32 s11, s7  }
.Ltmp1:
0xf: {  	p0 =	slt.u32 s11, $0x2;
	(pc) =	sbr.rel @!p1 .LBB1_10-.Ltmp1, $4  }
0x10: {  	s13 =	simm.s32 @!p0 $0x2  }
0x11: {  	s15 =	sadd.s32 $0x1, s11;
	_ =	swait.ge @!p0 [sflag:s13], $0x4000  }
0x12: {  	s12 =	smov.u32 s10;
	s9 =	sadd.s32 $0x4000, s9;
	[sflag:s13] =	ssyncset.done @!p0 $0x0  }
0x13: {  	s11 =	smov.u32 s15;
	s10 =	smov.u32 s14;
	[sflag:s13] =	ssyncadd.s32 @!p0 $0xFFFFC000  }
.LBB1_1:
0x14: {  	p0 =	sge.u32 s11, s6  }
0x15: {  	s13 =	sxor.u32 @!p0 $0xFFFFFFFF, s11  }
0x16: {  	s31 =	sadd.s32 $0xFFFFFFFF, s11;
	s14 =	sshll.u32 @!p0 s10, $0xA;
	s13 =	sshll.u32 @!p0 s13, $0xE  }
0x17: {  	s15 =	simm.s32 @!p0 $0x0;
	s14 =	sadd.s32 @!p0 s2, s14;
	s13 =	sand.u32 @!p0 $0x4000, s13  }
0x18: {  	[tilespmem:s13], [sflag:$0x1] =	stream.linear.gather @!p0 [hbm4b:s14+s15], $0x4000, $0x38;
	[tilespmem:$0x10000] =	vst v63  }
0x19: {  	p0 =	sge.u32 s31, s6  }
.Ltmp2:
0x1a: {  	_ = 	snop;
	(pc) =	sbr.rel @p0 .LBB1_9-.Ltmp2, $1  }
0x1b: {  	_ =	sdelay $0x3  }
0x1c: {  	s13 =	sshll.u32 s9, $0x2  }
0x1d: {  	_ =	swait.ge [sflag:s5], $0x4000;
	s14 =	sshll.u32 s11, $0xE;
	s16 =	simm.s32 $0x0  }
0x1e: {  	p1 =	por $0x1, $0x1;
	s13 =	sand.u32 $0x10000, s13;
	[sflag:s5] =	ssyncset.done $0x0  }
0x1f: {  	s14 =	sand.u32 $0x4000, s14;
	s15 =	sshrl.u32 s13, $0x2;
	[sflag:s5] =	ssyncadd.s32 $0xFFFFC000  }
0x20: {  	s13 =	sor.u32 $0x8000, s14;
	s14 =	sadd.s32 $0x8040, s15;
	s15 =	sadd.s32 $0x40, s15  }
.LBB1_3:
0x21: {  	s16 =	sshll.u32 s16, $0x2  }
0x22: {  	p0 =	por p1, p1;
	s17 =	sshra.s32 s16, $0x2  }
0x23: {  	s18 =	simm.s32 $0x0;
	s16 =	sadd.s32 s17, s14;
	s17 =	sadd.s32 s17, s15  }
.LBB1_4:
0x24: {  	v0 =	vmov s17;
	_ =	sdelay $0x3  }
0x25: {  	s20 =	simm.s32 $0x0  }
0x26: {  	v6 =	vld.idx.msk [tilespmem:v0+s20+$0x30 ss:$0x1], $0xffff  }
0x27: {  	v7 =	vld.idx.msk [tilespmem:v0+s20+$0xFFFFFFC0 ss:$0x1], $0xffff  }
0x28: {  	v5 =	vld.idx.msk [tilespmem:v0+s20+$0xFFFFFFD0 ss:$0x1], $0xffff  }
0x29: {  	v4 =	vld.idx.msk [tilespmem:v0+s20+$0xFFFFFFE0 ss:$0x1], $0xffff  }
0x2a: {  	v3 =	vld.idx.msk [tilespmem:v0+s20+$0xFFFFFFF0 ss:$0x1], $0xffff  }
0x2b: {  	v1 =	vld.idx.msk [tilespmem:v0+s20+$0x0 ss:$0x1], $0xffff  }
0x2c: {  	v2 =	vld.idx.msk [tilespmem:v0+s20+$0x10 ss:$0x1], $0xffff;
	[tilespmem:s16+$0x30] =	vst v6  }
0x2d: {  	s19 =	simm.s32 $0x80;
	s21 =	simm.s32 $0x400;
	[tilespmem:s16+$0xFFFFFFC0] =	vst v7;
	v6 =	vld.idx.msk [tilespmem:v0+s20+$0x20 ss:$0x1], $0xffff;
	s20 =	smov.u32 s16  }
.LBB1_5:
0x2e: {  	p1 =	sne.s32 s21, $0xE00;
	v7 =	vld.idx.msk [tilespmem:v0+s19+$0x30 ss:$0x1], $0xffff;
	[tilespmem:s20+$0xFFFFFFD0] =	vst v5  }
0x2f: {  	v8 =	vld.idx.msk [tilespmem:v0+s19+$0xFFFFFFC0 ss:$0x1], $0xffff;
	[tilespmem:s20+$0xFFFFFFE0] =	vst v4  }
0x30: {  	v5 =	vld.idx.msk [tilespmem:v0+s19+$0xFFFFFFD0 ss:$0x1], $0xffff;
	[tilespmem:s20+$0xFFFFFFF0] =	vst v3  }
.Ltmp3:
0x31: {  	v4 =	vld.idx.msk [tilespmem:v0+s19+$0xFFFFFFE0 ss:$0x1], $0xffff;
	[tilespmem:s20+$0x0] =	vst v1;
	(pc) =	sbr.rel @p1 .LBB1_5-.Ltmp3, $4  }
0x32: {  	v3 =	vld.idx.msk [tilespmem:v0+s19+$0xFFFFFFF0 ss:$0x1], $0xffff;
	[tilespmem:s20+$0x10] =	vst v2  }
0x33: {  	v1 =	vld.idx.msk [tilespmem:v0+s19+$0x0 ss:$0x1], $0xffff;
	[tilespmem:s20+$0x20] =	vst v6;
	s20 =	sadd.s32 $0x400, s20  }
0x34: {  	v2 =	vld.idx.msk [tilespmem:v0+s19+$0x10 ss:$0x1], $0xffff;
	[tilespmem:s20+$0x30] =	vst v7  }
0x35: {  	[tilespmem:s20+$0xFFFFFFC0] =	vst v8;
	v6 =	vld.idx.msk [tilespmem:v0+s19+$0x20 ss:$0x1], $0xffff;
	s19 =	sshra.s32 s21, $0x2;
	s21 =	sadd.s32 $0x200, s21  }
0x36: {  	_ =	sdelay $0x2  }
0x37: {  	[tilespmem:s20+$0xFFFFFFD0] =	vst v5  }
0x38: {  	v56 =	vld.idx.msk [tilespmem:v0+s19+$0x30 ss:$0x1], $0xffff;
	[tilespmem:s20+$0xFFFFFFE0] =	vst v4  }
0x39: {  	v57 =	vld.idx.msk [tilespmem:v0+s19+$0xFFFFFFC0 ss:$0x1], $0xffff;
	[tilespmem:s20+$0xFFFFFFF0] =	vst v3  }
0x3a: {  	v58 =	vld.idx.msk [tilespmem:v0+s19+$0xFFFFFFD0 ss:$0x1], $0xffff;
	[tilespmem:s20+$0x0] =	vst v1  }
0x3b: {  	v59 =	vld.idx.msk [tilespmem:v0+s19+$0xFFFFFFE0 ss:$0x1], $0xffff;
	[tilespmem:s20+$0x10] =	vst v2  }
0x3c: {  	v60 =	vld.idx.msk [tilespmem:v0+s19+$0xFFFFFFF0 ss:$0x1], $0xffff;
	s31 =	sadd.s32 $0x400, s20;
	[tilespmem:s20+$0x20] =	vst v6  }
0x3d: {  	v61 =	vld.idx.msk [tilespmem:v0+s19+$0x0 ss:$0x1], $0xffff;
	[tilespmem:s31+$0x30] =	vst v56  }
0x3e: {  	v62 =	vld.idx.msk [tilespmem:v0+s19+$0x10 ss:$0x1], $0xffff;
	s18 =	sadd.s32 $0x1, s18;
	[tilespmem:s31+$0xFFFFFFC0] =	vst v57  }
0x3f: {  	v63 =	vld.idx.msk [tilespmem:v0+s19+$0x20 ss:$0x1], $0xffff;
	p1 =	sne.s32 s18, $0x8;
	[tilespmem:s31+$0xFFFFFFD0] =	vst v58  }
.Ltmp4:
0x40: {  	[tilespmem:s31+$0xFFFFFFE0] =	vst v59;
	(pc) =	sbr.rel @p1 .LBB1_4-.Ltmp4, $4  }
0x41: {  	[tilespmem:s31+$0xFFFFFFF0] =	vst v60  }
0x42: {  	[tilespmem:s31+$0x0] =	vst v61  }
0x43: {  	[tilespmem:s31+$0x10] =	vst v62  }
0x44: {  	s16 =	sadd.s32 $0x80, s16;
	s17 =	sadd.s32 $0x400, s17;
	[tilespmem:s31+$0x20] =	vst v63  }
.Ltmp5:
0x45: {  	(pc) =	sbr.rel @p0 .LBB1_3-.Ltmp5, $2  }
0x46: {  	_ =	sdelay $0x2  }
0x47: {  	s16 =	simm.s32 $0x2000;
	p1 =	por $0x0, $0x0  }
.Ltmp6:
0x48: {  	(pc) =	sbr.rel .LBB1_9-.Ltmp6, $4  }
0x49: {  	_ = 	snop  }
0x4a: {  	s12 =	sshll.u32 s12, $0xA  }
0x4b: {  	s12 =	sadd.s32 s4, s12  }
0x4c: {  	[hbm4b:s12+s8] =	stream.linear.scatter [tilespmem:s13], [sflag:$0x2], $0x4000, $0x38;
	[tilespmem:$0x10000] =	vst v63  }
.LBB1_10:
0x4d: {  	_ =	sfence.sel $0x180000  }
0x4e: {  	s2 =	simm.s32 $0x1;
	[bflag:$0x0] =	sbarrier.arrive $0xFFFF  }
0x4f: {  	s31 =	simm.s32 $0x2;
	[sflag:s2] =	ssyncpa.u1 $0x1  }
0x50: {  	[sflag:s31] =	ssyncpa.u1 $0x1  }
0x51: {  	p0 =	sne.s32 s0, $0x0;
	_ =	strace $0x90000047  }
0x52: {  	s0 =	sadd.s32 @!p0 $0x100000, s1;
	[bflag:$0x2] =	sbarrier.arrive $0xFFFF  }
0x53: {  	[sflag:s0] =	ssyncadd.tile.s32 @!p0 $0x1;
	_ =	shalt  }
.Lfunc_end1:
_tile_overlayer_lowered:
.L_overlay_start_2:
0x54: {  	(tag) =	ssettag $0x2  }
0x55: {  	s0 =	rddreg [dreg:$0x0];
	s2 =	stileid.u32  }
0x56: {  	s1 =	rddreg [dreg:$0x1];
	p0 =	sne.s32 s2, $0x0  }
0x57: {  	s3 =	rddreg [dreg:$0x2];
	[bflag:$0x3] =	sbarrier.arrive $0xFFFF;
	s2 =	simm.s32 @!p0 $0x1C01  }
0x58: {  	[timem:s3], [sflag:s2] =	dma.local @!p0 [hbm:s0], s1  }
0x59: {  	s0 =	simm.s32 @!p0 $0x1  }
0x5a: {  	_ =	swait.ge @!p0 [sflag:s0], s1  }
0x5b: {  	s1 =	ssub.s32 @!p0 $0x0, s1;
	[sflag:s0] =	ssyncset.done @!p0 $0x0  }
0x5c: {  	[sflag:s0] =	ssyncadd.s32 @!p0 s1  }
0x5d: {  	[bflag:$0x3] =	sbarrier.arrive $0xFFFF  }
0x5e: {  	_ =	shalt  }

</sc_bundles>
